<compile_context>
chip_gen: v7x
topology: tpu7x:2x2x1
jax: 0.10.2.dev20260603
libtpu: 0.0.44.dev20260713+nightly
codegen_flags: <defaults>
</compile_context>

<pallas_src>
import jax
import jax.numpy as jnp
from jax import lax
from jax.experimental import pallas as pl
from jax.experimental.pallas import tpu as pltpu
from jax.experimental.pallas import tpu_sc as plsc

N = 10000
E = 320000
D = 128
H = 128
G = 64
NP = 10240

NC = 2
NS = 16
NW = NC * NS
KB = 256
RING = 2
IS = 8
EPT = E // NW
NB = 40
EPTP = NB * KB
EPAD = EPTP - EPT
DUMMY = NP
ACC_ROWS = NP + 16
NPS = NP // NS

BR = 1280
NBLK = NP // BR


def _sc_mesh():
    return plsc.VectorSubcoreMesh(core_axis_name="c", subcore_axis_name="s")



def _deg_body(dstf_hbm, out_hbm, idx_v, deg_v):
    c = lax.axis_index("c")
    s = lax.axis_index("s")
    wid = c * NS + s

    def fz(i, carry):
        deg_v[pl.ds(i * 16, 16)] = jnp.zeros((16,), jnp.float32)
        return carry

    lax.fori_loop(0, ACC_ROWS // 16, fz, 0)
    pltpu.sync_copy(dstf_hbm.at[wid], idx_v)

    ones16 = jnp.full((16,), 1.0, jnp.float32)

    def blk(j, carry):
        v = idx_v[pl.ds(j * 16, 16)]
        plsc.addupdate_scatter(deg_v, [v], ones16)
        return carry

    lax.fori_loop(0, EPTP // 16, blk, 0)
    pltpu.sync_copy(deg_v.at[pl.ds(0, NP)], out_hbm.at[wid])


def _deg_call(dstf):
    return pl.kernel(
        _deg_body,
        out_type=jax.ShapeDtypeStruct((NW, NP), jnp.float32),
        mesh=_sc_mesh(),
        compiler_params=pltpu.CompilerParams(needs_layout_passes=False),
        scratch_types=[
            pltpu.VMEM((EPTP,), jnp.int32),
            pltpu.VMEM((ACC_ROWS,), jnp.float32),
        ],
    )(dstf)



def _scat_body(hp_hbm, srcp_hbm, dstp_hbm, out_hbm,
               src_v, dst_v, rows_v, acc_sh, sem):
    c = lax.axis_index("c")
    s = lax.axis_index("s")
    wid = c * NS + s

    pltpu.sync_copy(hp_hbm.at[pl.ds(s * NPS, NPS)],
                    acc_sh.at[pl.ds(s * NPS, NPS)])
    plsc.subcore_barrier()

    def blk(j, carry):
        pltpu.sync_copy(srcp_hbm.at[wid, j], src_v)
        pltpu.sync_copy(dstp_hbm.at[wid, j], dst_v)
        pltpu.async_copy(hp_hbm.at[src_v], rows_v, sem).wait()
        pltpu.sync_copy(rows_v, acc_sh.at[dst_v], add=True)
        return carry

    lax.fori_loop(0, NB, blk, 0)
    plsc.subcore_barrier()
    pltpu.sync_copy(acc_sh.at[pl.ds(s * NPS, NPS)],
                    out_hbm.at[c, pl.ds(s * NPS, NPS)])


def _scat_call(hp, srcp, dstp):
    return pl.kernel(
        _scat_body,
        out_type=jax.ShapeDtypeStruct((NC, NP, D), jnp.float32),
        mesh=_sc_mesh(),
        scratch_types=[
            pltpu.VMEM((KB,), jnp.int32),
            pltpu.VMEM((KB,), jnp.int32),
            pltpu.VMEM((KB, D), jnp.float32),
            pltpu.VMEM_SHARED((ACC_ROWS, D), jnp.float32),
            pltpu.SemaphoreType.DMA,
        ],
    )(hp, srcp, dstp)



def _mm_body(x_ref, w_ref, deg_ref, hp_ref):
    deg = jnp.sum(deg_ref[...], axis=0) + 1.0
    dinv = lax.rsqrt(deg)
    h = jnp.dot(x_ref[...], w_ref[...], preferred_element_type=jnp.float32)
    hp_ref[...] = h * dinv[:, None]


def _mm_call(x, w, deg):
    return pl.pallas_call(
        _mm_body,
        grid=(NBLK,),
        in_specs=[
            pl.BlockSpec((BR, D), lambda i: (i, 0)),
            pl.BlockSpec((D, H), lambda i: (0, 0)),
            pl.BlockSpec((NW, BR), lambda i: (0, i)),
        ],
        out_specs=pl.BlockSpec((BR, H), lambda i: (i, 0)),
        out_shape=jax.ShapeDtypeStruct((NP, H), jnp.float32),
    )(x, w, deg)



def _head_body(acc_ref, hp_ref, deg_ref, batch_ref, gamma_ref, beta_ref,
               w1_ref, b1_ref, w2_ref, b2_ref, w3_ref, b3_ref,
               z_ref, colsum, colsq, segsum, cnt):
    i = pl.program_id(0)
    deg = jnp.sum(deg_ref[...], axis=0) + 1.0
    dinv = lax.rsqrt(deg)
    rows = (acc_ref[0] + acc_ref[1] - hp_ref[...]) * dinv[:, None]

    bidx = batch_ref[0, 0, :]
    onehot = (bidx[None, :] ==
              lax.broadcasted_iota(jnp.int32, (G, 1), 0)).astype(jnp.float32)
    seg = jnp.dot(onehot, rows, preferred_element_type=jnp.float32)
    c = jnp.sum(onehot, axis=1, keepdims=True)
    cs = jnp.sum(rows, axis=0, keepdims=True)
    cq = jnp.sum(rows * rows, axis=0, keepdims=True)

    @pl.when(i == 0)
    def _init():
        colsum[...] = cs
        colsq[...] = cq
        segsum[...] = seg
        cnt[...] = c

    @pl.when(i > 0)
    def _accum():
        colsum[...] += cs
        colsq[...] += cq
        segsum[...] += seg
        cnt[...] += c

    @pl.when(i == NBLK - 1)
    def _epilogue():
        mu = colsum[...] / float(N)
        var = colsq[...] / float(N) - mu * mu
        scale = gamma_ref[...] * lax.rsqrt(var + 1e-5)
        shift = beta_ref[...] - mu * scale
        pooled = segsum[...] / jnp.maximum(cnt[...], 1.0)
        pooled = pooled * scale + shift
        z1 = jnp.maximum(
            jnp.dot(pooled, w1_ref[...], preferred_element_type=jnp.float32)
            + b1_ref[...], 0.0)
        z2 = jnp.maximum(
            jnp.dot(z1, w2_ref[...], preferred_element_type=jnp.float32)
            + b2_ref[...], 0.0)
        z_ref[...] = (jnp.dot(z2, w3_ref[...],
                              preferred_element_type=jnp.float32)
                      + b3_ref[...])


def _head_call(accs, hp, deg, batch_r, gamma, beta, w1, b1, w2, b2, w3, b3):
    full = lambda shape: pl.BlockSpec(shape, lambda i: tuple(0 for _ in shape))
    return pl.pallas_call(
        _head_body,
        grid=(NBLK,),
        in_specs=[
            pl.BlockSpec((NC, BR, H), lambda i: (0, i, 0)),
            pl.BlockSpec((BR, H), lambda i: (i, 0)),
            pl.BlockSpec((NW, BR), lambda i: (0, i)),
            pl.BlockSpec((1, 1, BR), lambda i: (i, 0, 0)),
            full((1, H)), full((1, H)),
            full((H, 128)), full((1, 128)),
            full((128, 64)), full((1, 64)),
            full((64, 1)), full((1, 1)),
        ],
        out_specs=pl.BlockSpec((G, 1), lambda i: (0, 0)),
        out_shape=jax.ShapeDtypeStruct((G, 1), jnp.float32),
        scratch_shapes=[
            pltpu.VMEM((1, H), jnp.float32),
            pltpu.VMEM((1, H), jnp.float32),
            pltpu.VMEM((G, H), jnp.float32),
            pltpu.VMEM((G, 1), jnp.float32),
        ],
    )(accs, hp, deg, batch_r, gamma, beta, w1, b1, w2, b2, w3, b3)


def kernel(x, edge_index, batch, W_gcn, b_gcn, gamma, beta,
           W1, b1, W2, b2, W3, b3):
    srcw = edge_index[0].reshape(NW, EPT)
    dstw = edge_index[1].reshape(NW, EPT)
    srcp = jnp.pad(srcw, ((0, 0), (0, EPAD))).reshape(NW, NB, KB)
    pad_dst = DUMMY + (jnp.arange(EPAD, dtype=jnp.int32) % 16)
    dstw_p = jnp.concatenate(
        [dstw, jnp.broadcast_to(pad_dst, (NW, EPAD))], axis=1)
    dstp = dstw_p.reshape(NW, NB, KB)
    xp = jnp.pad(x, ((0, NP - N), (0, 0)))
    batch_p = jnp.pad(batch, (0, NP - N), constant_values=G)

    deg = _deg_call(dstw_p)
    hp = _mm_call(xp, W_gcn, deg)
    accs = _scat_call(hp, srcp, dstp)
    batch_r = batch_p.reshape(NBLK, 1, BR)
    z = _head_call(accs, hp, deg, batch_r,
                   gamma.reshape(1, H), beta.reshape(1, H),
                   W1, b1.reshape(1, 128), W2, b2.reshape(1, 64),
                   W3, b3.reshape(1, 1))
    return z

# --- scband reference (transcript-rebuilt; emitter-appended) ---
"""Pipeline reference for scband-gnn-54494545052225 (READ-ONLY COPY).

The authoritative reference and input builder live on the scoring server;
editing this copy changes nothing except your own understanding.
"""

import jax, jax.numpy as jnp
import numpy as np

N = 10000
E = 320000
D = 128
H = 128
G = 64


def setup_inputs(seed: int = 0) -> dict:
    key = jax.random.key(seed)
    ks = jax.random.split(key, 12)
    x = jax.random.normal(ks[0], (N, D), dtype=jnp.float32)
    edge_index = jax.random.randint(ks[1], (2, E), 0, N, dtype=jnp.int32)
    batch = jnp.sort(jax.random.randint(ks[2], (N,), 0, G, dtype=jnp.int32))
    W_gcn = jax.random.normal(ks[3], (D, H), dtype=jnp.float32) * 0.05
    b_gcn = jnp.zeros((H,), dtype=jnp.float32)
    gamma = jnp.ones((H,), dtype=jnp.float32)
    beta = jnp.zeros((H,), dtype=jnp.float32)
    W1 = jax.random.normal(ks[4], (H, 128), dtype=jnp.float32) * 0.05
    b1 = jnp.zeros((128,), dtype=jnp.float32)
    W2 = jax.random.normal(ks[5], (128, 64), dtype=jnp.float32) * 0.05
    b2 = jnp.zeros((64,), dtype=jnp.float32)
    W3 = jax.random.normal(ks[6], (64, 1), dtype=jnp.float32) * 0.05
    b3 = jnp.zeros((1,), dtype=jnp.float32)
    return {"x": x, "edge_index": edge_index, "batch": batch,
            "W_gcn": W_gcn, "b_gcn": b_gcn, "gamma": gamma, "beta": beta,
            "W1": W1, "b1": b1, "W2": W2, "b2": b2, "W3": W3, "b3": b3}


def reference(x, edge_index, batch, W_gcn, b_gcn, gamma, beta, W1, b1, W2, b2, W3, b3):
    # ---- GCNConv (add self-loops, symmetric normalization) ----
    loops = jnp.arange(N, dtype=edge_index.dtype)
    src = jnp.concatenate([edge_index[0], loops])
    dst = jnp.concatenate([edge_index[1], loops])
    deg = jnp.zeros((N,), dtype=jnp.float32).at[dst].add(1.0)
    dinv = jax.lax.rsqrt(deg)
    norm = dinv[src] * dinv[dst]
    h = x @ W_gcn
    msg = h[src] * norm[:, None]
    out = jnp.zeros((N, H), dtype=jnp.float32).at[dst].add(msg) + b_gcn
    # ---- BatchNorm1d (training mode, batch statistics) ----
    mu = jnp.mean(out, axis=0)
    var = jnp.mean((out - mu) ** 2, axis=0)
    out = gamma * (out - mu) / jnp.sqrt(var + 1e-5) + beta
    # ---- global_mean_pool over batch ids ----
    sums = jax.ops.segment_sum(out, batch, num_segments=G)
    cnt = jax.ops.segment_sum(jnp.ones((N,), dtype=jnp.float32), batch, num_segments=G)
    pooled = sums / jnp.maximum(cnt, 1.0)[:, None]
    # ---- MLP head: Linear-ReLU-Linear-ReLU-Linear ----
    z = jax.nn.relu(pooled @ W1 + b1)
    z = jax.nn.relu(z @ W2 + b2)
    z = z @ W3 + b3
    return z

if __name__ == "__main__":
    import jax
    _d = setup_inputs()
    print(jax.jit(kernel)(*tuple(_d.values())))

</pallas_src>

<mosaic_0001>
#map = affine_map<(d0, d1) -> (0, 0)>
module attributes {stable_mosaic.version = 14 : i64} {
  func.func @_deg_body(%arg0: i32, %arg1: i32, %arg2: memref<32x10240xi32, #tpu.memory_space<hbm>>, %arg3: memref<32x10240xf32, #tpu.memory_space<hbm>>, %arg4: memref<10240xi32, #tpu.memory_space<vmem>>, %arg5: memref<10256xf32, #tpu.memory_space<vmem>>) attributes {dimension_semantics = [#tpu.dimension_semantics<core_parallel>, #tpu.dimension_semantics<subcore_parallel>], iteration_bounds = array<i64: 2, 16>, scalar_prefetch = 0 : i64, scratch_operands = 2 : i64, tpu.core_type = #tpu.core_type<sc_vector_subcore>, window_params = [{transform_indices = #map}, {transform_indices = #map}]} {
    %mul3A = arith.constant 16 : i32
    %mul3A_0 = arith.muli %arg0, %mul3A : i32
    %add3A = arith.addi %mul3A_0, %arg1 : i32
    %scan3A = arith.constant 0 : i32
    %scan3A_1 = arith.constant 0 : i32
    %scan3A_2 = arith.constant 641 : i32
    %scan3A_3 = arith.addi %scan3A_1, %scan3A_2 : i32
    %scan3A_4 = arith.constant 1 : i32
    scf.for %scan3A_13 = %scan3A_1 to %scan3A_3 step %scan3A_4  : i32 {
      %broadcast_in_dim3A_14 = arith.constant 0.000000e+00 : f32
      %broadcast_in_dim3A_15 = vector.broadcast %broadcast_in_dim3A_14 : f32 to vector<16xf32>
      %mul3A_16 = arith.constant 16 : i32
      %mul3A_17 = arith.muli %scan3A_13, %mul3A_16 : i32
      %swap3A = arith.index_cast %mul3A_17 : i32 to index
      %swap3A_18 = tpu.vector_load %arg5[%swap3A] {strides = array<i32>} : memref<10256xf32, #tpu.memory_space<vmem>>, vector<16xf32>,
      tpu.vector_store %arg5[%swap3A], %broadcast_in_dim3A_15 {strides = array<i32>} : memref<10256xf32, #tpu.memory_space<vmem>>, vector<16xf32>,
    }
    %scan3A_5 = arith.constant 641 : i32
    "tpu.region"() ({
      %run_scoped3A = tpu.sem_alloc : memref<!tpu.dma_semaphore, #tpu.memory_space<semaphore_mem>>
      %dma_start3A = arith.constant 0 : i32
      %dma_start3A_13 = tpu.memref_slice %arg2[%add3A, %dma_start3A] : memref<32x10240xi32, #tpu.memory_space<hbm>> -> memref<1x10240xi32, #tpu.memory_space<hbm>>
      %dma_start3A_14 = tpu.memref_squeeze %dma_start3A_13 : memref<1x10240xi32, #tpu.memory_space<hbm>> -> memref<10240xi32, #tpu.memory_space<hbm>>
      %dma_start3A_15 = arith.constant 0 : i32
      %dma_start3A_16 = tpu.memref_slice %arg2[%add3A, %dma_start3A_15] : memref<32x10240xi32, #tpu.memory_space<hbm>> -> memref<1x10240xi32, #tpu.memory_space<hbm>>
      %dma_start3A_17 = tpu.memref_squeeze %dma_start3A_16 : memref<1x10240xi32, #tpu.memory_space<hbm>> -> memref<10240xi32, #tpu.memory_space<hbm>>
      tpu.enqueue_dma source(%dma_start3A_17 : memref<10240xi32, #tpu.memory_space<hbm>>) target(%arg4 : memref<10240xi32, #tpu.memory_space<vmem>>) target_semaphore(%run_scoped3A : memref<!tpu.dma_semaphore, #tpu.memory_space<semaphore_mem>>)
      %dma_wait3A = arith.constant 0 : i32
      %dma_wait3A_18 = tpu.memref_slice %arg2[%add3A, %dma_wait3A] : memref<32x10240xi32, #tpu.memory_space<hbm>> -> memref<1x10240xi32, #tpu.memory_space<hbm>>
      %dma_wait3A_19 = tpu.memref_squeeze %dma_wait3A_18 : memref<1x10240xi32, #tpu.memory_space<hbm>> -> memref<10240xi32, #tpu.memory_space<hbm>>
      %dma_wait3A_20 = arith.constant 0 : i32
      %dma_wait3A_21 = tpu.memref_slice %arg2[%add3A, %dma_wait3A_20] : memref<32x10240xi32, #tpu.memory_space<hbm>> -> memref<1x10240xi32, #tpu.memory_space<hbm>>
      %dma_wait3A_22 = tpu.memref_squeeze %dma_wait3A_21 : memref<1x10240xi32, #tpu.memory_space<hbm>> -> memref<10240xi32, #tpu.memory_space<hbm>>
      tpu.wait_dma2 semaphore(%run_scoped3A : memref<!tpu.dma_semaphore, #tpu.memory_space<semaphore_mem>>) src(%dma_wait3A_22 : memref<10240xi32, #tpu.memory_space<hbm>>) dst(%arg4 : memref<10240xi32, #tpu.memory_space<vmem>>)
      tpu.yield
    }) : () -> ()
    %broadcast_in_dim3A = arith.constant 1.000000e+00 : f32
    %broadcast_in_dim3A_6 = vector.broadcast %broadcast_in_dim3A : f32 to vector<16xf32>
    %scan3A_7 = arith.constant 0 : i32
    %scan3A_8 = arith.constant 0 : i32
    %scan3A_9 = arith.constant 640 : i32
    %scan3A_10 = arith.addi %scan3A_8, %scan3A_9 : i32
    %scan3A_11 = arith.constant 1 : i32
    scf.for %scan3A_13 = %scan3A_8 to %scan3A_10 step %scan3A_11  : i32 {
      %mul3A_14 = arith.constant 16 : i32
      %mul3A_15 = arith.muli %scan3A_13, %mul3A_14 : i32
      %get3A = arith.index_cast %mul3A_15 : i32 to index
      %get3A_16 = tpu.vector_load %arg4[%get3A] {strides = array<i32>} : memref<10240xi32, #tpu.memory_space<vmem>>, vector<16xi32>,
      tpu.vector_store_idx %arg5[%get3A_16], %broadcast_in_dim3A_6 {add = true} : memref<10256xf32, #tpu.memory_space<vmem>>[vector<16xi32>], vector<16xf32>,
    }
    %scan3A_12 = arith.constant 640 : i32
    "tpu.region"() ({
      %run_scoped3A = tpu.sem_alloc : memref<!tpu.dma_semaphore, #tpu.memory_space<semaphore_mem>>
      %dma_start3A = arith.constant 0 : i32
      %dma_start3A_13 = tpu.memref_slice %arg5[%dma_start3A] : memref<10256xf32, #tpu.memory_space<vmem>> -> memref<10240xf32, #tpu.memory_space<vmem>>
      %dma_start3A_14 = arith.constant 0 : i32
      %dma_start3A_15 = tpu.memref_slice %arg3[%add3A, %dma_start3A_14] : memref<32x10240xf32, #tpu.memory_space<hbm>> -> memref<1x10240xf32, #tpu.memory_space<hbm>>
      %dma_start3A_16 = tpu.memref_squeeze %dma_start3A_15 : memref<1x10240xf32, #tpu.memory_space<hbm>> -> memref<10240xf32, #tpu.memory_space<hbm>>
      %dma_start3A_17 = arith.constant 0 : i32
      %dma_start3A_18 = tpu.memref_slice %arg3[%add3A, %dma_start3A_17] : memref<32x10240xf32, #tpu.memory_space<hbm>> -> memref<1x10240xf32, #tpu.memory_space<hbm>>
      %dma_start3A_19 = tpu.memref_squeeze %dma_start3A_18 : memref<1x10240xf32, #tpu.memory_space<hbm>> -> memref<10240xf32, #tpu.memory_space<hbm>>
      %dma_start3A_20 = arith.constant 0 : i32
      %dma_start3A_21 = tpu.memref_slice %arg5[%dma_start3A_20] : memref<10256xf32, #tpu.memory_space<vmem>> -> memref<10240xf32, #tpu.memory_space<vmem>>
      tpu.enqueue_dma source(%dma_start3A_21 : memref<10240xf32, #tpu.memory_space<vmem>>) target(%dma_start3A_19 : memref<10240xf32, #tpu.memory_space<hbm>>) target_semaphore(%run_scoped3A : memref<!tpu.dma_semaphore, #tpu.memory_space<semaphore_mem>>)
      %dma_wait3A = arith.constant 0 : i32
      %dma_wait3A_22 = tpu.memref_slice %arg5[%dma_wait3A] : memref<10256xf32, #tpu.memory_space<vmem>> -> memref<10240xf32, #tpu.memory_space<vmem>>
      %dma_wait3A_23 = arith.constant 0 : i32
      %dma_wait3A_24 = tpu.memref_slice %arg3[%add3A, %dma_wait3A_23] : memref<32x10240xf32, #tpu.memory_space<hbm>> -> memref<1x10240xf32, #tpu.memory_space<hbm>>
      %dma_wait3A_25 = tpu.memref_squeeze %dma_wait3A_24 : memref<1x10240xf32, #tpu.memory_space<hbm>> -> memref<10240xf32, #tpu.memory_space<hbm>>
      %dma_wait3A_26 = arith.constant 0 : i32
      %dma_wait3A_27 = tpu.memref_slice %arg3[%add3A, %dma_wait3A_26] : memref<32x10240xf32, #tpu.memory_space<hbm>> -> memref<1x10240xf32, #tpu.memory_space<hbm>>
      %dma_wait3A_28 = tpu.memref_squeeze %dma_wait3A_27 : memref<1x10240xf32, #tpu.memory_space<hbm>> -> memref<10240xf32, #tpu.memory_space<hbm>>
      %dma_wait3A_29 = arith.constant 0 : i32
      %dma_wait3A_30 = tpu.memref_slice %arg5[%dma_wait3A_29] : memref<10256xf32, #tpu.memory_space<vmem>> -> memref<10240xf32, #tpu.memory_space<vmem>>
      tpu.wait_dma2 semaphore(%run_scoped3A : memref<!tpu.dma_semaphore, #tpu.memory_space<semaphore_mem>>) src(%dma_wait3A_30 : memref<10240xf32, #tpu.memory_space<vmem>>) dst(%dma_wait3A_28 : memref<10240xf32, #tpu.memory_space<hbm>>)
      tpu.yield
    }) : () -> ()
    return
  }
}

#map = affine_map<(d0, d1) -> (0, 0)>
#map1 = affine_map<(d0, d1) -> (0, 0, 0)>
module attributes {stable_mosaic.version = 14 : i64} {
  func.func @_scat_body(%arg0: i32, %arg1: i32, %arg2: memref<10240x128xf32, #tpu.memory_space<hbm>>, %arg3: memref<32x40x256xi32, #tpu.memory_space<hbm>>, %arg4: memref<32x40x256xi32, #tpu.memory_space<hbm>>, %arg5: memref<2x10240x128xf32, #tpu.memory_space<hbm>>, %arg6: memref<256xi32, #tpu.memory_space<vmem>>, %arg7: memref<256xi32, #tpu.memory_space<vmem>>, %arg8: memref<256x128xf32, #tpu.memory_space<vmem>>, %arg9: memref<10256x128xf32, #tpu.memory_space<vmem_shared>>, %arg10: memref<!tpu.dma_semaphore, #tpu.memory_space<semaphore_mem>>) attributes {dimension_semantics = [#tpu.dimension_semantics<core_parallel>, #tpu.dimension_semantics<subcore_parallel>], iteration_bounds = array<i64: 2, 16>, scalar_prefetch = 0 : i64, scratch_operands = 5 : i64, tpu.core_type = #tpu.core_type<sc_vector_subcore>, window_params = [{transform_indices = #map}, {transform_indices = #map1}, {transform_indices = #map1}, {transform_indices = #map1}]} {
    %mul3A = arith.constant 16 : i32
    %mul3A_0 = arith.muli %arg0, %mul3A : i32
    %add3A = arith.addi %mul3A_0, %arg1 : i32
    %mul3A_1 = arith.constant 640 : i32
    %mul3A_2 = arith.muli %arg1, %mul3A_1 : i32
    %mul3A_3 = arith.constant 640 : i32
    %mul3A_4 = arith.muli %arg1, %mul3A_3 : i32
    "tpu.region"() ({
      %run_scoped3A = tpu.sem_alloc : memref<!tpu.dma_semaphore, #tpu.memory_space<semaphore_mem>>
      %dma_start3A = arith.constant 0 : i32
      %dma_start3A_15 = tpu.memref_slice %arg9[%mul3A_4, %dma_start3A] : memref<10256x128xf32, #tpu.memory_space<vmem_shared>> -> memref<640x128xf32, #tpu.memory_space<vmem_shared>>
      %dma_start3A_16 = arith.constant 0 : i32
      %dma_start3A_17 = tpu.memref_slice %arg2[%mul3A_2, %dma_start3A_16] : memref<10240x128xf32, #tpu.memory_space<hbm>> -> memref<640x128xf32, #tpu.memory_space<hbm>>
      tpu.enqueue_dma source(%dma_start3A_17 : memref<640x128xf32, #tpu.memory_space<hbm>>) target(%dma_start3A_15 : memref<640x128xf32, #tpu.memory_space<vmem_shared>>) target_semaphore(%run_scoped3A : memref<!tpu.dma_semaphore, #tpu.memory_space<semaphore_mem>>)
      %dma_wait3A = arith.constant 0 : i32
      %dma_wait3A_18 = tpu.memref_slice %arg9[%mul3A_4, %dma_wait3A] : memref<10256x128xf32, #tpu.memory_space<vmem_shared>> -> memref<640x128xf32, #tpu.memory_space<vmem_shared>>
      %dma_wait3A_19 = arith.constant 0 : i32
      %dma_wait3A_20 = tpu.memref_slice %arg2[%mul3A_2, %dma_wait3A_19] : memref<10240x128xf32, #tpu.memory_space<hbm>> -> memref<640x128xf32, #tpu.memory_space<hbm>>
      tpu.wait_dma2 semaphore(%run_scoped3A : memref<!tpu.dma_semaphore, #tpu.memory_space<semaphore_mem>>) src(%dma_wait3A_20 : memref<640x128xf32, #tpu.memory_space<hbm>>) dst(%dma_wait3A_18 : memref<640x128xf32, #tpu.memory_space<vmem_shared>>)
      tpu.yield
    }) : () -> ()
    %barrier3A = arith.constant 0 : index
    tpu.barrier barrier_id(%barrier3A)
    %scan3A = arith.constant 0 : i32
    %scan3A_5 = arith.constant 0 : i32
    %scan3A_6 = arith.constant 40 : i32
    %scan3A_7 = arith.addi %scan3A_5, %scan3A_6 : i32
    %scan3A_8 = arith.constant 1 : i32
    scf.for %scan3A_15 = %scan3A_5 to %scan3A_7 step %scan3A_8  : i32 {
      "tpu.region"() ({
        %run_scoped3A = tpu.sem_alloc : memref<!tpu.dma_semaphore, #tpu.memory_space<semaphore_mem>>
        %dma_start3A_20 = arith.constant 0 : i32
        %dma_start3A_21 = tpu.memref_slice %arg3[%add3A, %scan3A_15, %dma_start3A_20] : memref<32x40x256xi32, #tpu.memory_space<hbm>> -> memref<1x1x256xi32, #tpu.memory_space<hbm>>
        %dma_start3A_22 = tpu.memref_squeeze %dma_start3A_21 : memref<1x1x256xi32, #tpu.memory_space<hbm>> -> memref<256xi32, #tpu.memory_space<hbm>>
        %dma_start3A_23 = arith.constant 0 : i32
        %dma_start3A_24 = tpu.memref_slice %arg3[%add3A, %scan3A_15, %dma_start3A_23] : memref<32x40x256xi32, #tpu.memory_space<hbm>> -> memref<1x1x256xi32, #tpu.memory_space<hbm>>
        %dma_start3A_25 = tpu.memref_squeeze %dma_start3A_24 : memref<1x1x256xi32, #tpu.memory_space<hbm>> -> memref<256xi32, #tpu.memory_space<hbm>>
        tpu.enqueue_dma source(%dma_start3A_25 : memref<256xi32, #tpu.memory_space<hbm>>) target(%arg6 : memref<256xi32, #tpu.memory_space<vmem>>) target_semaphore(%run_scoped3A : memref<!tpu.dma_semaphore, #tpu.memory_space<semaphore_mem>>)
        %dma_wait3A_26 = arith.constant 0 : i32
        %dma_wait3A_27 = tpu.memref_slice %arg3[%add3A, %scan3A_15, %dma_wait3A_26] : memref<32x40x256xi32, #tpu.memory_space<hbm>> -> memref<1x1x256xi32, #tpu.memory_space<hbm>>
        %dma_wait3A_28 = tpu.memref_squeeze %dma_wait3A_27 : memref<1x1x256xi32, #tpu.memory_space<hbm>> -> memref<256xi32, #tpu.memory_space<hbm>>
        %dma_wait3A_29 = arith.constant 0 : i32
        %dma_wait3A_30 = tpu.memref_slice %arg3[%add3A, %scan3A_15, %dma_wait3A_29] : memref<32x40x256xi32, #tpu.memory_space<hbm>> -> memref<1x1x256xi32, #tpu.memory_space<hbm>>
        %dma_wait3A_31 = tpu.memref_squeeze %dma_wait3A_30 : memref<1x1x256xi32, #tpu.memory_space<hbm>> -> memref<256xi32, #tpu.memory_space<hbm>>
        tpu.wait_dma2 semaphore(%run_scoped3A : memref<!tpu.dma_semaphore, #tpu.memory_space<semaphore_mem>>) src(%dma_wait3A_31 : memref<256xi32, #tpu.memory_space<hbm>>) dst(%arg6 : memref<256xi32, #tpu.memory_space<vmem>>)
        tpu.yield
      }) : () -> ()
      "tpu.region"() ({
        %run_scoped3A = tpu.sem_alloc : memref<!tpu.dma_semaphore, #tpu.memory_space<semaphore_mem>>
        %dma_start3A_20 = arith.constant 0 : i32
        %dma_start3A_21 = tpu.memref_slice %arg4[%add3A, %scan3A_15, %dma_start3A_20] : memref<32x40x256xi32, #tpu.memory_space<hbm>> -> memref<1x1x256xi32, #tpu.memory_space<hbm>>
        %dma_start3A_22 = tpu.memref_squeeze %dma_start3A_21 : memref<1x1x256xi32, #tpu.memory_space<hbm>> -> memref<256xi32, #tpu.memory_space<hbm>>
        %dma_start3A_23 = arith.constant 0 : i32
        %dma_start3A_24 = tpu.memref_slice %arg4[%add3A, %scan3A_15, %dma_start3A_23] : memref<32x40x256xi32, #tpu.memory_space<hbm>> -> memref<1x1x256xi32, #tpu.memory_space<hbm>>
        %dma_start3A_25 = tpu.memref_squeeze %dma_start3A_24 : memref<1x1x256xi32, #tpu.memory_space<hbm>> -> memref<256xi32, #tpu.memory_space<hbm>>
        tpu.enqueue_dma source(%dma_start3A_25 : memref<256xi32, #tpu.memory_space<hbm>>) target(%arg7 : memref<256xi32, #tpu.memory_space<vmem>>) target_semaphore(%run_scoped3A : memref<!tpu.dma_semaphore, #tpu.memory_space<semaphore_mem>>)
        %dma_wait3A_26 = arith.constant 0 : i32
        %dma_wait3A_27 = tpu.memref_slice %arg4[%add3A, %scan3A_15, %dma_wait3A_26] : memref<32x40x256xi32, #tpu.memory_space<hbm>> -> memref<1x1x256xi32, #tpu.memory_space<hbm>>
        %dma_wait3A_28 = tpu.memref_squeeze %dma_wait3A_27 : memref<1x1x256xi32, #tpu.memory_space<hbm>> -> memref<256xi32, #tpu.memory_space<hbm>>
        %dma_wait3A_29 = arith.constant 0 : i32
        %dma_wait3A_30 = tpu.memref_slice %arg4[%add3A, %scan3A_15, %dma_wait3A_29] : memref<32x40x256xi32, #tpu.memory_space<hbm>> -> memref<1x1x256xi32, #tpu.memory_space<hbm>>
        %dma_wait3A_31 = tpu.memref_squeeze %dma_wait3A_30 : memref<1x1x256xi32, #tpu.memory_space<hbm>> -> memref<256xi32, #tpu.memory_space<hbm>>
        tpu.wait_dma2 semaphore(%run_scoped3A : memref<!tpu.dma_semaphore, #tpu.memory_space<semaphore_mem>>) src(%dma_wait3A_31 : memref<256xi32, #tpu.memory_space<hbm>>) dst(%arg7 : memref<256xi32, #tpu.memory_space<vmem>>)
        tpu.yield
      }) : () -> ()
      %dma_start3A = arith.constant 0 : i32
      %dma_start3A_16 = arith.constant 0 : i32
      %dma_start3A_17 = tpu.memref_slice %arg2[%dma_start3A, %dma_start3A_16] : memref<10240x128xf32, #tpu.memory_space<hbm>> -> memref<10240x128xf32, #tpu.memory_space<hbm>>
      tpu.enqueue_indirect_dma source(%dma_start3A_17 : memref<10240x128xf32, #tpu.memory_space<hbm>>) target(%arg8 : memref<256x128xf32, #tpu.memory_space<vmem>>) offsets(%arg6 : memref<256xi32, #tpu.memory_space<vmem>>) semaphore(%arg10 : memref<!tpu.dma_semaphore, #tpu.memory_space<semaphore_mem>>)
      %dma_wait3A = arith.constant 0 : i32
      %dma_wait3A_18 = arith.constant 0 : i32
      %dma_wait3A_19 = tpu.memref_slice %arg2[%dma_wait3A, %dma_wait3A_18] : memref<10240x128xf32, #tpu.memory_space<hbm>> -> memref<10240x128xf32, #tpu.memory_space<hbm>>
      tpu.wait_indirect_dma semaphore(%arg10 : memref<!tpu.dma_semaphore, #tpu.memory_space<semaphore_mem>>) src(%dma_wait3A_19 : memref<10240x128xf32, #tpu.memory_space<hbm>>) dst(%arg8 : memref<256x128xf32, #tpu.memory_space<vmem>>)
      "tpu.region"() ({
        %run_scoped3A = tpu.sem_alloc : memref<!tpu.dma_semaphore, #tpu.memory_space<semaphore_mem>>
        %dma_start3A_20 = arith.constant 0 : i32
        %dma_start3A_21 = arith.constant 0 : i32
        %dma_start3A_22 = tpu.memref_slice %arg9[%dma_start3A_20, %dma_start3A_21] : memref<10256x128xf32, #tpu.memory_space<vmem_shared>> -> memref<10256x128xf32, #tpu.memory_space<vmem_shared>>
        tpu.enqueue_indirect_dma source(%arg8 : memref<256x128xf32, #tpu.memory_space<vmem>>) target(%dma_start3A_22 : memref<10256x128xf32, #tpu.memory_space<vmem_shared>>) offsets(%arg7 : memref<256xi32, #tpu.memory_space<vmem>>) semaphore(%run_scoped3A : memref<!tpu.dma_semaphore, #tpu.memory_space<semaphore_mem>>) {add = true}
        %dma_wait3A_23 = arith.constant 0 : i32
        %dma_wait3A_24 = arith.constant 0 : i32
        %dma_wait3A_25 = tpu.memref_slice %arg9[%dma_wait3A_23, %dma_wait3A_24] : memref<10256x128xf32, #tpu.memory_space<vmem_shared>> -> memref<10256x128xf32, #tpu.memory_space<vmem_shared>>
        tpu.wait_indirect_dma semaphore(%run_scoped3A : memref<!tpu.dma_semaphore, #tpu.memory_space<semaphore_mem>>) src(%arg8 : memref<256x128xf32, #tpu.memory_space<vmem>>) dst(%dma_wait3A_25 : memref<10256x128xf32, #tpu.memory_space<vmem_shared>>)
        tpu.yield
      }) : () -> ()
    }
    %scan3A_9 = arith.constant 40 : i32
    %barrier3A_10 = arith.constant 0 : index
    tpu.barrier barrier_id(%barrier3A_10)
    %mul3A_11 = arith.constant 640 : i32
    %mul3A_12 = arith.muli %arg1, %mul3A_11 : i32
    %mul3A_13 = arith.constant 640 : i32
    %mul3A_14 = arith.muli %arg1, %mul3A_13 : i32
    "tpu.region"() ({
      %run_scoped3A = tpu.sem_alloc : memref<!tpu.dma_semaphore, #tpu.memory_space<semaphore_mem>>
      %dma_start3A = arith.constant 0 : i32
      %dma_start3A_15 = tpu.memref_slice %arg5[%arg0, %mul3A_14, %dma_start3A] : memref<2x10240x128xf32, #tpu.memory_space<hbm>> -> memref<1x640x128xf32, #tpu.memory_space<hbm>>
      %dma_start3A_16 = tpu.memref_squeeze %dma_start3A_15 : memref<1x640x128xf32, #tpu.memory_space<hbm>> -> memref<640x128xf32, #tpu.memory_space<hbm>>
      %dma_start3A_17 = arith.constant 0 : i32
      %dma_start3A_18 = tpu.memref_slice %arg9[%mul3A_12, %dma_start3A_17] : memref<10256x128xf32, #tpu.memory_space<vmem_shared>> -> memref<640x128xf32, #tpu.memory_space<vmem_shared>>
      tpu.enqueue_dma source(%dma_start3A_18 : memref<640x128xf32, #tpu.memory_space<vmem_shared>>) target(%dma_start3A_16 : memref<640x128xf32, #tpu.memory_space<hbm>>) target_semaphore(%run_scoped3A : memref<!tpu.dma_semaphore, #tpu.memory_space<semaphore_mem>>)
      %dma_wait3A = arith.constant 0 : i32
      %dma_wait3A_19 = tpu.memref_slice %arg5[%arg0, %mul3A_14, %dma_wait3A] : memref<2x10240x128xf32, #tpu.memory_space<hbm>> -> memref<1x640x128xf32, #tpu.memory_space<hbm>>
      %dma_wait3A_20 = tpu.memref_squeeze %dma_wait3A_19 : memref<1x640x128xf32, #tpu.memory_space<hbm>> -> memref<640x128xf32, #tpu.memory_space<hbm>>
      %dma_wait3A_21 = arith.constant 0 : i32
      %dma_wait3A_22 = tpu.memref_slice %arg9[%mul3A_12, %dma_wait3A_21] : memref<10256x128xf32, #tpu.memory_space<vmem_shared>> -> memref<640x128xf32, #tpu.memory_space<vmem_shared>>
      tpu.wait_dma2 semaphore(%run_scoped3A : memref<!tpu.dma_semaphore, #tpu.memory_space<semaphore_mem>>) src(%dma_wait3A_22 : memref<640x128xf32, #tpu.memory_space<vmem_shared>>) dst(%dma_wait3A_20 : memref<640x128xf32, #tpu.memory_space<hbm>>)
      tpu.yield
    }) : () -> ()
    return
  }
}

module attributes {stable_mosaic.version = 14 : i64} {
  func.func @_mm_body(%arg0: i32, %arg1: memref<1280x128xf32, #tpu.memory_space<vmem>>, %arg2: memref<128x128xf32, #tpu.memory_space<vmem>>, %arg3: memref<32x1280xf32, #tpu.memory_space<vmem>>, %arg4: memref<1280x128xf32, #tpu.memory_space<vmem>>) attributes {dimension_semantics = [#tpu.dimension_semantics<arbitrary>], iteration_bounds = array<i64: 8>, scalar_prefetch = 0 : i64, scratch_operands = 0 : i64, tpu.core_type = #tpu.core_type<tc>, window_params = [{transform_indices = @transform_0, window_bounds = array<i64: 1280, 128>}, {pipeline_mode = #tpu.pipeline_mode<synchronous>, transform_indices = @transform_1, window_bounds = array<i64: 128, 128>}, {transform_indices = @transform_2, window_bounds = array<i64: 32, 1280>}, {transform_indices = @transform_3, window_bounds = array<i64: 1280, 128>}]} {
    %get3A = arith.constant 0 : index
    %get3A_0 = arith.constant 0 : index
    %get3A_1 = vector.load %arg3[%get3A, %get3A_0] : memref<32x1280xf32, #tpu.memory_space<vmem>>, vector<32x1280xf32>
    %reduce_sum3A = arith.constant dense<0.000000e+00> : vector<1280xf32>
    %reduce_sum3A_2 = vector.multi_reduction <add>, %get3A_1, %reduce_sum3A [0] : vector<32x1280xf32> to vector<1280xf32>
    %add3A = arith.constant 1.000000e+00 : f32
    %add3A_3 = vector.broadcast %add3A : f32 to vector<1280xf32>
    %add3A_4 = arith.addf %reduce_sum3A_2, %add3A_3 : vector<1280xf32>
    %rsqrt3A = math.rsqrt %add3A_4 : vector<1280xf32>
    %get3A_5 = arith.constant 0 : index
    %get3A_6 = arith.constant 0 : index
    %get3A_7 = vector.load %arg1[%get3A_5, %get3A_6] : memref<1280x128xf32, #tpu.memory_space<vmem>>, vector<1280x128xf32>
    %get3A_8 = arith.constant 0 : index
    %get3A_9 = arith.constant 0 : index
    %get3A_10 = vector.load %arg2[%get3A_8, %get3A_9] : memref<128x128xf32, #tpu.memory_space<vmem>>, vector<128x128xf32>
    %dot_general3A = arith.constant dense<0.000000e+00> : vector<1280x128xf32>
    %dot_general3A_11 = tpu.matmul %get3A_7, %get3A_10, %dot_general3A {dimension_numbers = #tpu.dot_dimension_numbers<[1], [0], [0], [1], [0, 0, 1, 1], [], []>, transpose_lhs_hint = false} : vector<1280x128xf32>, vector<128x128xf32>, vector<1280x128xf32> -> vector<1280x128xf32>
    %broadcast_in_dim3A = vector.shape_cast %rsqrt3A : vector<1280xf32> to vector<1280x1xf32>
    %mul3A = vector.broadcast %broadcast_in_dim3A : vector<1280x1xf32> to vector<1280x128xf32>
    %mul3A_12 = arith.mulf %dot_general3A_11, %mul3A : vector<1280x128xf32>
    %swap3A = arith.constant 0 : index
    %swap3A_13 = arith.constant 0 : index
    %swap3A_14 = vector.load %arg4[%swap3A, %swap3A_13] : memref<1280x128xf32, #tpu.memory_space<vmem>>, vector<1280x128xf32>
    tpu.vector_store %arg4[%swap3A, %swap3A_13], %mul3A_12 {strides = array<i32>} : memref<1280x128xf32, #tpu.memory_space<vmem>>, vector<1280x128xf32>,
    return
  }
  func.func @transform_0(%arg0: i32) -> (i32, i32) {
    %c0_i32 = arith.constant 0 : i32
    %c0_i32_0 = arith.constant 0 : i32
    return %arg0, %c0_i32 : i32, i32
  }
  func.func @transform_1(%arg0: i32) -> (i32, i32) {
    %c0_i32 = arith.constant 0 : i32
    %c0_i32_0 = arith.constant 0 : i32
    %c0_i32_1 = arith.constant 0 : i32
    return %c0_i32, %c0_i32_0 : i32, i32
  }
  func.func @transform_2(%arg0: i32) -> (i32, i32) {
    %c0_i32 = arith.constant 0 : i32
    %c0_i32_0 = arith.constant 0 : i32
    return %c0_i32, %arg0 : i32, i32
  }
  func.func @transform_3(%arg0: i32) -> (i32, i32) {
    %c0_i32 = arith.constant 0 : i32
    %c0_i32_0 = arith.constant 0 : i32
    return %arg0, %c0_i32 : i32, i32
  }
}

module attributes {stable_mosaic.version = 14 : i64} {
  func.func @_head_body(%arg0: i32, %arg1: memref<2x1280x128xf32, #tpu.memory_space<vmem>>, %arg2: memref<1280x128xf32, #tpu.memory_space<vmem>>, %arg3: memref<32x1280xf32, #tpu.memory_space<vmem>>, %arg4: memref<1x1x1280xi32, #tpu.memory_space<vmem>>, %arg5: memref<1x128xf32, #tpu.memory_space<vmem>>, %arg6: memref<1x128xf32, #tpu.memory_space<vmem>>, %arg7: memref<128x128xf32, #tpu.memory_space<vmem>>, %arg8: memref<1x128xf32, #tpu.memory_space<vmem>>, %arg9: memref<128x64xf32, #tpu.memory_space<vmem>>, %arg10: memref<1x64xf32, #tpu.memory_space<vmem>>, %arg11: memref<64x1xf32, #tpu.memory_space<vmem>>, %arg12: memref<1x1xf32, #tpu.memory_space<vmem>>, %arg13: memref<64x1xf32, #tpu.memory_space<vmem>>, %arg14: memref<1x128xf32, #tpu.memory_space<vmem>>, %arg15: memref<1x128xf32, #tpu.memory_space<vmem>>, %arg16: memref<64x128xf32, #tpu.memory_space<vmem>>, %arg17: memref<64x1xf32, #tpu.memory_space<vmem>>) attributes {dimension_semantics = [#tpu.dimension_semantics<arbitrary>], iteration_bounds = array<i64: 8>, scalar_prefetch = 0 : i64, scratch_operands = 4 : i64, tpu.core_type = #tpu.core_type<tc>, window_params = [{transform_indices = @transform_0, window_bounds = array<i64: 2, 1280, 128>}, {transform_indices = @transform_1, window_bounds = array<i64: 1280, 128>}, {transform_indices = @transform_2, window_bounds = array<i64: 32, 1280>}, {transform_indices = @transform_3, window_bounds = array<i64: 1, 1, 1280>}, {pipeline_mode = #tpu.pipeline_mode<synchronous>, transform_indices = @transform_4, window_bounds = array<i64: 1, 128>}, {pipeline_mode = #tpu.pipeline_mode<synchronous>, transform_indices = @transform_5, window_bounds = array<i64: 1, 128>}, {pipeline_mode = #tpu.pipeline_mode<synchronous>, transform_indices = @transform_6, window_bounds = array<i64: 128, 128>}, {pipeline_mode = #tpu.pipeline_mode<synchronous>, transform_indices = @transform_7, window_bounds = array<i64: 1, 128>}, {pipeline_mode = #tpu.pipeline_mode<synchronous>, transform_indices = @transform_8, window_bounds = array<i64: 128, 64>}, {pipeline_mode = #tpu.pipeline_mode<synchronous>, transform_indices = @transform_9, window_bounds = array<i64: 1, 64>}, {pipeline_mode = #tpu.pipeline_mode<synchronous>, transform_indices = @transform_10, window_bounds = array<i64: 64, 1>}, {pipeline_mode = #tpu.pipeline_mode<synchronous>, transform_indices = @transform_11, window_bounds = array<i64: 1, 1>}, {pipeline_mode = #tpu.pipeline_mode<synchronous>, transform_indices = @transform_12, window_bounds = array<i64: 64, 1>}]} {
    %get3A = arith.constant 0 : index
    %get3A_0 = arith.constant 0 : index
    %get3A_1 = vector.load %arg3[%get3A, %get3A_0] : memref<32x1280xf32, #tpu.memory_space<vmem>>, vector<32x1280xf32>
    %reduce_sum3A = arith.constant dense<0.000000e+00> : vector<1280xf32>
    %reduce_sum3A_2 = vector.multi_reduction <add>, %get3A_1, %reduce_sum3A [0] : vector<32x1280xf32> to vector<1280xf32>
    %add3A = arith.constant 1.000000e+00 : f32
    %add3A_3 = vector.broadcast %add3A : f32 to vector<1280xf32>
    %add3A_4 = arith.addf %reduce_sum3A_2, %add3A_3 : vector<1280xf32>
    %rsqrt3A = math.rsqrt %add3A_4 : vector<1280xf32>
    %get3A_5 = arith.constant 0 : index
    %get3A_6 = arith.constant 0 : index
    %get3A_7 = arith.constant 0 : index
    %get3A_8 = vector.load %arg1[%get3A_5, %get3A_6, %get3A_7] : memref<2x1280x128xf32, #tpu.memory_space<vmem>>, vector<1x1280x128xf32>
    %get3A_9 = vector.shape_cast %get3A_8 : vector<1x1280x128xf32> to vector<1280x128xf32>
    %get3A_10 = arith.constant 1 : index
    %get3A_11 = arith.constant 0 : index
    %get3A_12 = arith.constant 0 : index
    %get3A_13 = vector.load %arg1[%get3A_10, %get3A_11, %get3A_12] : memref<2x1280x128xf32, #tpu.memory_space<vmem>>, vector<1x1280x128xf32>
    %get3A_14 = vector.shape_cast %get3A_13 : vector<1x1280x128xf32> to vector<1280x128xf32>
    %add3A_15 = arith.addf %get3A_9, %get3A_14 : vector<1280x128xf32>
    %get3A_16 = arith.constant 0 : index
    %get3A_17 = arith.constant 0 : index
    %get3A_18 = vector.load %arg2[%get3A_16, %get3A_17] : memref<1280x128xf32, #tpu.memory_space<vmem>>, vector<1280x128xf32>
    %sub3A = arith.subf %add3A_15, %get3A_18 : vector<1280x128xf32>
    %broadcast_in_dim3A = vector.shape_cast %rsqrt3A : vector<1280xf32> to vector<1280x1xf32>
    %mul3A = vector.broadcast %broadcast_in_dim3A : vector<1280x1xf32> to vector<1280x128xf32>
    %mul3A_19 = arith.mulf %sub3A, %mul3A : vector<1280x128xf32>
    %get3A_20 = arith.constant 0 : index
    %get3A_21 = arith.constant 0 : index
    %get3A_22 = arith.constant 0 : index
    %get3A_23 = vector.load %arg4[%get3A_20, %get3A_21, %get3A_22] : memref<1x1x1280xi32, #tpu.memory_space<vmem>>, vector<1x1x1280xi32>
    %get3A_24 = vector.shape_cast %get3A_23 : vector<1x1x1280xi32> to vector<1280xi32>
    %broadcast_in_dim3A_25 = vector.shape_cast %get3A_24 : vector<1280xi32> to vector<1x1280xi32>
    %iota3A = tpu.iota {dimensions = array<i32: 0>} : vector<64x1xi32>
    %eq3A = vector.broadcast %broadcast_in_dim3A_25 : vector<1x1280xi32> to vector<64x1280xi32>
    %eq3A_26 = vector.broadcast %iota3A : vector<64x1xi32> to vector<64x1280xi32>
    %eq3A_27 = arith.cmpi eq, %eq3A, %eq3A_26 : vector<64x1280xi32>
    %convert_element_type3A = arith.extui %eq3A_27 : vector<64x1280xi1> to vector<64x1280xi32>
    %convert_element_type3A_28 = arith.sitofp %convert_element_type3A : vector<64x1280xi32> to vector<64x1280xf32>
    %dot_general3A = arith.constant dense<0.000000e+00> : vector<64x128xf32>
    %dot_general3A_29 = tpu.matmul %convert_element_type3A_28, %mul3A_19, %dot_general3A {dimension_numbers = #tpu.dot_dimension_numbers<[1], [0], [0], [1], [0, 0, 1, 1], [], []>, transpose_lhs_hint = false} : vector<64x1280xf32>, vector<1280x128xf32>, vector<64x128xf32> -> vector<64x128xf32>
    %reduce_sum3A_30 = arith.constant dense<0.000000e+00> : vector<64xf32>
    %reduce_sum3A_31 = vector.multi_reduction <add>, %convert_element_type3A_28, %reduce_sum3A_30 [1] : vector<64x1280xf32> to vector<64xf32>
    %broadcast_in_dim3A_32 = vector.shape_cast %reduce_sum3A_31 : vector<64xf32> to vector<64x1xf32>
    %reduce_sum3A_33 = arith.constant dense<0.000000e+00> : vector<128xf32>
    %reduce_sum3A_34 = vector.multi_reduction <add>, %mul3A_19, %reduce_sum3A_33 [0] : vector<1280x128xf32> to vector<128xf32>
    %broadcast_in_dim3A_35 = vector.shape_cast %reduce_sum3A_34 : vector<128xf32> to vector<1x128xf32>
    %mul3A_36 = arith.mulf %mul3A_19, %mul3A_19 : vector<1280x128xf32>
    %reduce_sum3A_37 = arith.constant dense<0.000000e+00> : vector<128xf32>
    %reduce_sum3A_38 = vector.multi_reduction <add>, %mul3A_36, %reduce_sum3A_37 [0] : vector<1280x128xf32> to vector<128xf32>
    %broadcast_in_dim3A_39 = vector.shape_cast %reduce_sum3A_38 : vector<128xf32> to vector<1x128xf32>
    %eq3A_40 = arith.constant 0 : i32
    %eq3A_41 = arith.cmpi eq, %arg0, %eq3A_40 : i32
    %convert_element_type3A_42 = arith.extui %eq3A_41 : i1 to i32
    %cond3A = arith.constant 0 : i32
    %cond3A_43 = arith.cmpi ne, %convert_element_type3A_42, %cond3A : i32
    scf.if %cond3A_43 {
      %swap3A = arith.constant 0 : index
      %swap3A_53 = arith.constant 0 : index
      %swap3A_54 = vector.load %arg14[%swap3A, %swap3A_53] : memref<1x128xf32, #tpu.memory_space<vmem>>, vector<1x128xf32>
      tpu.vector_store %arg14[%swap3A, %swap3A_53], %broadcast_in_dim3A_35 {strides = array<i32>} : memref<1x128xf32, #tpu.memory_space<vmem>>, vector<1x128xf32>,
      %swap3A_55 = arith.constant 0 : index
      %swap3A_56 = arith.constant 0 : index
      %swap3A_57 = vector.load %arg15[%swap3A_55, %swap3A_56] : memref<1x128xf32, #tpu.memory_space<vmem>>, vector<1x128xf32>
      tpu.vector_store %arg15[%swap3A_55, %swap3A_56], %broadcast_in_dim3A_39 {strides = array<i32>} : memref<1x128xf32, #tpu.memory_space<vmem>>, vector<1x128xf32>,
      %swap3A_58 = arith.constant 0 : index
      %swap3A_59 = arith.constant 0 : index
      %swap3A_60 = vector.load %arg16[%swap3A_58, %swap3A_59] : memref<64x128xf32, #tpu.memory_space<vmem>>, vector<64x128xf32>
      tpu.vector_store %arg16[%swap3A_58, %swap3A_59], %dot_general3A_29 {strides = array<i32>} : memref<64x128xf32, #tpu.memory_space<vmem>>, vector<64x128xf32>,
      %swap3A_61 = arith.constant 0 : index
      %swap3A_62 = arith.constant 0 : index
      %swap3A_63 = vector.load %arg17[%swap3A_61, %swap3A_62] : memref<64x1xf32, #tpu.memory_space<vmem>>, vector<64x1xf32>
      tpu.vector_store %arg17[%swap3A_61, %swap3A_62], %broadcast_in_dim3A_32 {strides = array<i32>} : memref<64x1xf32, #tpu.memory_space<vmem>>, vector<64x1xf32>,
    } else {
    }
    %gt3A = arith.constant 0 : i32
    %gt3A_44 = arith.cmpi sgt, %arg0, %gt3A : i32
    %convert_element_type3A_45 = arith.extui %gt3A_44 : i1 to i32
    %cond3A_46 = arith.constant 0 : i32
    %cond3A_47 = arith.cmpi ne, %convert_element_type3A_45, %cond3A_46 : i32
    scf.if %cond3A_47 {
      %get3A_53 = arith.constant 0 : index
      %get3A_54 = arith.constant 0 : index
      %get3A_55 = vector.load %arg14[%get3A_53, %get3A_54] : memref<1x128xf32, #tpu.memory_space<vmem>>, vector<1x128xf32>
      %add3A_56 = arith.addf %get3A_55, %broadcast_in_dim3A_35 : vector<1x128xf32>
      %swap3A = arith.constant 0 : index
      %swap3A_57 = arith.constant 0 : index
      %swap3A_58 = vector.load %arg14[%swap3A, %swap3A_57] : memref<1x128xf32, #tpu.memory_space<vmem>>, vector<1x128xf32>
      tpu.vector_store %arg14[%swap3A, %swap3A_57], %add3A_56 {strides = array<i32>} : memref<1x128xf32, #tpu.memory_space<vmem>>, vector<1x128xf32>,
      %get3A_59 = arith.constant 0 : index
      %get3A_60 = arith.constant 0 : index
      %get3A_61 = vector.load %arg15[%get3A_59, %get3A_60] : memref<1x128xf32, #tpu.memory_space<vmem>>, vector<1x128xf32>
      %add3A_62 = arith.addf %get3A_61, %broadcast_in_dim3A_39 : vector<1x128xf32>
      %swap3A_63 = arith.constant 0 : index
      %swap3A_64 = arith.constant 0 : index
      %swap3A_65 = vector.load %arg15[%swap3A_63, %swap3A_64] : memref<1x128xf32, #tpu.memory_space<vmem>>, vector<1x128xf32>
      tpu.vector_store %arg15[%swap3A_63, %swap3A_64], %add3A_62 {strides = array<i32>} : memref<1x128xf32, #tpu.memory_space<vmem>>, vector<1x128xf32>,
      %get3A_66 = arith.constant 0 : index
      %get3A_67 = arith.constant 0 : index
      %get3A_68 = vector.load %arg16[%get3A_66, %get3A_67] : memref<64x128xf32, #tpu.memory_space<vmem>>, vector<64x128xf32>
      %add3A_69 = arith.addf %get3A_68, %dot_general3A_29 : vector<64x128xf32>
      %swap3A_70 = arith.constant 0 : index
      %swap3A_71 = arith.constant 0 : index
      %swap3A_72 = vector.load %arg16[%swap3A_70, %swap3A_71] : memref<64x128xf32, #tpu.memory_space<vmem>>, vector<64x128xf32>
      tpu.vector_store %arg16[%swap3A_70, %swap3A_71], %add3A_69 {strides = array<i32>} : memref<64x128xf32, #tpu.memory_space<vmem>>, vector<64x128xf32>,
      %get3A_73 = arith.constant 0 : index
      %get3A_74 = arith.constant 0 : index
      %get3A_75 = vector.load %arg17[%get3A_73, %get3A_74] : memref<64x1xf32, #tpu.memory_space<vmem>>, vector<64x1xf32>
      %add3A_76 = arith.addf %get3A_75, %broadcast_in_dim3A_32 : vector<64x1xf32>
      %swap3A_77 = arith.constant 0 : index
      %swap3A_78 = arith.constant 0 : index
      %swap3A_79 = vector.load %arg17[%swap3A_77, %swap3A_78] : memref<64x1xf32, #tpu.memory_space<vmem>>, vector<64x1xf32>
      tpu.vector_store %arg17[%swap3A_77, %swap3A_78], %add3A_76 {strides = array<i32>} : memref<64x1xf32, #tpu.memory_space<vmem>>, vector<64x1xf32>,
    } else {
    }
    %eq3A_48 = arith.constant 7 : i32
    %eq3A_49 = arith.cmpi eq, %arg0, %eq3A_48 : i32
    %convert_element_type3A_50 = arith.extui %eq3A_49 : i1 to i32
    %cond3A_51 = arith.constant 0 : i32
    %cond3A_52 = arith.cmpi ne, %convert_element_type3A_50, %cond3A_51 : i32
    scf.if %cond3A_52 {
      %get3A_53 = arith.constant 0 : index
      %get3A_54 = arith.constant 0 : index
      %get3A_55 = vector.load %arg14[%get3A_53, %get3A_54] : memref<1x128xf32, #tpu.memory_space<vmem>>, vector<1x128xf32>
      %div3A = arith.constant 1.000000e+04 : f32
      %div3A_56 = vector.broadcast %div3A : f32 to vector<1x128xf32>
      %div3A_57 = arith.divf %get3A_55, %div3A_56 : vector<1x128xf32>
      %get3A_58 = arith.constant 0 : index
      %get3A_59 = arith.constant 0 : index
      %get3A_60 = vector.load %arg15[%get3A_58, %get3A_59] : memref<1x128xf32, #tpu.memory_space<vmem>>, vector<1x128xf32>
      %div3A_61 = arith.constant 1.000000e+04 : f32
      %div3A_62 = vector.broadcast %div3A_61 : f32 to vector<1x128xf32>
      %div3A_63 = arith.divf %get3A_60, %div3A_62 : vector<1x128xf32>
      %mul3A_64 = arith.mulf %div3A_57, %div3A_57 : vector<1x128xf32>
      %sub3A_65 = arith.subf %div3A_63, %mul3A_64 : vector<1x128xf32>
      %get3A_66 = arith.constant 0 : index
      %get3A_67 = arith.constant 0 : index
      %get3A_68 = vector.load %arg5[%get3A_66, %get3A_67] : memref<1x128xf32, #tpu.memory_space<vmem>>, vector<1x128xf32>
      %add3A_69 = arith.constant 9.99999974E-6 : f32
      %add3A_70 = vector.broadcast %add3A_69 : f32 to vector<1x128xf32>
      %add3A_71 = arith.addf %sub3A_65, %add3A_70 : vector<1x128xf32>
      %rsqrt3A_72 = math.rsqrt %add3A_71 : vector<1x128xf32>
      %mul3A_73 = arith.mulf %get3A_68, %rsqrt3A_72 : vector<1x128xf32>
      %get3A_74 = arith.constant 0 : index
      %get3A_75 = arith.constant 0 : index
      %get3A_76 = vector.load %arg6[%get3A_74, %get3A_75] : memref<1x128xf32, #tpu.memory_space<vmem>>, vector<1x128xf32>
      %mul3A_77 = arith.mulf %div3A_57, %mul3A_73 : vector<1x128xf32>
      %sub3A_78 = arith.subf %get3A_76, %mul3A_77 : vector<1x128xf32>
      %get3A_79 = arith.constant 0 : index
      %get3A_80 = arith.constant 0 : index
      %get3A_81 = vector.load %arg16[%get3A_79, %get3A_80] : memref<64x128xf32, #tpu.memory_space<vmem>>, vector<64x128xf32>
      %get3A_82 = arith.constant 0 : index
      %get3A_83 = arith.constant 0 : index
      %get3A_84 = vector.load %arg17[%get3A_82, %get3A_83] : memref<64x1xf32, #tpu.memory_space<vmem>>, vector<64x1xf32>
      %max3A = arith.constant 1.000000e+00 : f32
      %max3A_85 = vector.broadcast %max3A : f32 to vector<64x1xf32>
      %max3A_86 = arith.maximumf %get3A_84, %max3A_85 : vector<64x1xf32>
      %div3A_87 = vector.broadcast %max3A_86 : vector<64x1xf32> to vector<64x128xf32>
      %div3A_88 = arith.divf %get3A_81, %div3A_87 : vector<64x128xf32>
      %mul3A_89 = vector.broadcast %mul3A_73 : vector<1x128xf32> to vector<64x128xf32>
      %mul3A_90 = arith.mulf %div3A_88, %mul3A_89 : vector<64x128xf32>
      %add3A_91 = vector.broadcast %sub3A_78 : vector<1x128xf32> to vector<64x128xf32>
      %add3A_92 = arith.addf %mul3A_90, %add3A_91 : vector<64x128xf32>
      %get3A_93 = arith.constant 0 : index
      %get3A_94 = arith.constant 0 : index
      %get3A_95 = vector.load %arg7[%get3A_93, %get3A_94] : memref<128x128xf32, #tpu.memory_space<vmem>>, vector<128x128xf32>
      %dot_general3A_96 = arith.constant dense<0.000000e+00> : vector<64x128xf32>
      %dot_general3A_97 = tpu.matmul %add3A_92, %get3A_95, %dot_general3A_96 {dimension_numbers = #tpu.dot_dimension_numbers<[1], [0], [0], [1], [0, 0, 1, 1], [], []>, transpose_lhs_hint = false} : vector<64x128xf32>, vector<128x128xf32>, vector<64x128xf32> -> vector<64x128xf32>
      %get3A_98 = arith.constant 0 : index
      %get3A_99 = arith.constant 0 : index
      %get3A_100 = vector.load %arg8[%get3A_98, %get3A_99] : memref<1x128xf32, #tpu.memory_space<vmem>>, vector<1x128xf32>
      %add3A_101 = vector.broadcast %get3A_100 : vector<1x128xf32> to vector<64x128xf32>
      %add3A_102 = arith.addf %dot_general3A_97, %add3A_101 : vector<64x128xf32>
      %max3A_103 = arith.constant 0.000000e+00 : f32
      %max3A_104 = vector.broadcast %max3A_103 : f32 to vector<64x128xf32>
      %max3A_105 = arith.maximumf %add3A_102, %max3A_104 : vector<64x128xf32>
      %get3A_106 = arith.constant 0 : index
      %get3A_107 = arith.constant 0 : index
      %get3A_108 = vector.load %arg9[%get3A_106, %get3A_107] : memref<128x64xf32, #tpu.memory_space<vmem>>, vector<128x64xf32>
      %dot_general3A_109 = arith.constant dense<0.000000e+00> : vector<64x64xf32>
      %dot_general3A_110 = tpu.matmul %max3A_105, %get3A_108, %dot_general3A_109 {dimension_numbers = #tpu.dot_dimension_numbers<[1], [0], [0], [1], [0, 0, 1, 1], [], []>, transpose_lhs_hint = false} : vector<64x128xf32>, vector<128x64xf32>, vector<64x64xf32> -> vector<64x64xf32>
      %get3A_111 = arith.constant 0 : index
      %get3A_112 = arith.constant 0 : index
      %get3A_113 = vector.load %arg10[%get3A_111, %get3A_112] : memref<1x64xf32, #tpu.memory_space<vmem>>, vector<1x64xf32>
      %add3A_114 = vector.broadcast %get3A_113 : vector<1x64xf32> to vector<64x64xf32>
      %add3A_115 = arith.addf %dot_general3A_110, %add3A_114 : vector<64x64xf32>
      %max3A_116 = arith.constant 0.000000e+00 : f32
      %max3A_117 = vector.broadcast %max3A_116 : f32 to vector<64x64xf32>
      %max3A_118 = arith.maximumf %add3A_115, %max3A_117 : vector<64x64xf32>
      %get3A_119 = arith.constant 0 : index
      %get3A_120 = arith.constant 0 : index
      %get3A_121 = vector.load %arg11[%get3A_119, %get3A_120] : memref<64x1xf32, #tpu.memory_space<vmem>>, vector<64x1xf32>
      %dot_general3A_122 = arith.constant dense<0.000000e+00> : vector<64x1xf32>
      %dot_general3A_123 = tpu.matmul %max3A_118, %get3A_121, %dot_general3A_122 {dimension_numbers = #tpu.dot_dimension_numbers<[1], [0], [0], [1], [0, 0, 1, 1], [], []>, transpose_lhs_hint = false} : vector<64x64xf32>, vector<64x1xf32>, vector<64x1xf32> -> vector<64x1xf32>
      %get3A_124 = arith.constant 0 : index
      %get3A_125 = arith.constant 0 : index
      %get3A_126 = vector.load %arg12[%get3A_124, %get3A_125] : memref<1x1xf32, #tpu.memory_space<vmem>>, vector<1x1xf32>
      %add3A_127 = vector.broadcast %get3A_126 : vector<1x1xf32> to vector<64x1xf32>
      %add3A_128 = arith.addf %dot_general3A_123, %add3A_127 : vector<64x1xf32>
      %swap3A = arith.constant 0 : index
      %swap3A_129 = arith.constant 0 : index
      %swap3A_130 = vector.load %arg13[%swap3A, %swap3A_129] : memref<64x1xf32, #tpu.memory_space<vmem>>, vector<64x1xf32>
      tpu.vector_store %arg13[%swap3A, %swap3A_129], %add3A_128 {strides = array<i32>} : memref<64x1xf32, #tpu.memory_space<vmem>>, vector<64x1xf32>,
    } else {
    }
    return
  }
  func.func @transform_0(%arg0: i32) -> (i32, i32, i32) {
    %c0_i32 = arith.constant 0 : i32
    %c0_i32_0 = arith.constant 0 : i32
    %c0_i32_1 = arith.constant 0 : i32
    return %c0_i32, %arg0, %c0_i32_0 : i32, i32, i32
  }
  func.func @transform_1(%arg0: i32) -> (i32, i32) {
    %c0_i32 = arith.constant 0 : i32
    %c0_i32_0 = arith.constant 0 : i32
    return %arg0, %c0_i32 : i32, i32
  }
  func.func @transform_2(%arg0: i32) -> (i32, i32) {
    %c0_i32 = arith.constant 0 : i32
    %c0_i32_0 = arith.constant 0 : i32
    return %c0_i32, %arg0 : i32, i32
  }
  func.func @transform_3(%arg0: i32) -> (i32, i32, i32) {
    %c0_i32 = arith.constant 0 : i32
    %c0_i32_0 = arith.constant 0 : i32
    %c0_i32_1 = arith.constant 0 : i32
    return %arg0, %c0_i32, %c0_i32_0 : i32, i32, i32
  }
  func.func @transform_4(%arg0: i32) -> (i32, i32) {
    %c0_i32 = arith.constant 0 : i32
    %c0_i32_0 = arith.constant 0 : i32
    %c0_i32_1 = arith.constant 0 : i32
    return %c0_i32, %c0_i32_0 : i32, i32
  }
  func.func @transform_5(%arg0: i32) -> (i32, i32) {
    %c0_i32 = arith.constant 0 : i32
    %c0_i32_0 = arith.constant 0 : i32
    %c0_i32_1 = arith.constant 0 : i32
    return %c0_i32, %c0_i32_0 : i32, i32
  }
  func.func @transform_6(%arg0: i32) -> (i32, i32) {
    %c0_i32 = arith.constant 0 : i32
    %c0_i32_0 = arith.constant 0 : i32
    %c0_i32_1 = arith.constant 0 : i32
    return %c0_i32, %c0_i32_0 : i32, i32
  }
  func.func @transform_7(%arg0: i32) -> (i32, i32) {
    %c0_i32 = arith.constant 0 : i32
    %c0_i32_0 = arith.constant 0 : i32
    %c0_i32_1 = arith.constant 0 : i32
    return %c0_i32, %c0_i32_0 : i32, i32
  }
  func.func @transform_8(%arg0: i32) -> (i32, i32) {
    %c0_i32 = arith.constant 0 : i32
    %c0_i32_0 = arith.constant 0 : i32
    %c0_i32_1 = arith.constant 0 : i32
    return %c0_i32, %c0_i32_0 : i32, i32
  }
  func.func @transform_9(%arg0: i32) -> (i32, i32) {
    %c0_i32 = arith.constant 0 : i32
    %c0_i32_0 = arith.constant 0 : i32
    %c0_i32_1 = arith.constant 0 : i32
    return %c0_i32, %c0_i32_0 : i32, i32
  }
  func.func @transform_10(%arg0: i32) -> (i32, i32) {
    %c0_i32 = arith.constant 0 : i32
    %c0_i32_0 = arith.constant 0 : i32
    %c0_i32_1 = arith.constant 0 : i32
    return %c0_i32, %c0_i32_0 : i32, i32
  }
  func.func @transform_11(%arg0: i32) -> (i32, i32) {
    %c0_i32 = arith.constant 0 : i32
    %c0_i32_0 = arith.constant 0 : i32
    %c0_i32_1 = arith.constant 0 : i32
    return %c0_i32, %c0_i32_0 : i32, i32
  }
  func.func @transform_12(%arg0: i32) -> (i32, i32) {
    %c0_i32 = arith.constant 0 : i32
    %c0_i32_0 = arith.constant 0 : i32
    %c0_i32_1 = arith.constant 0 : i32
    return %c0_i32, %c0_i32_0 : i32, i32
  }
}

</mosaic_0001>

<sc_bundles>
// kernel: kernel.6.cloned.1.call-start
scs
__scs_entry_jumppad:
0x0: {  	(pc) =	sbr.rel $0x88, $3  }
0x1: {  	(tag) =	ssettag $0x0;
	lr =	simm.s32 $0x1  }
0x2: {  	[smem:$0x3F95] =	sst lr;
	_ =	strace $0xD0000000  }
0x3: {  	_ = 	snop  }
0x4: {  	_ = 	snop  }
0x5: {  	_ = 	snop  }
0x6: {  	_ = 	snop  }
0x7: {  	_ = 	snop  }
__scs_overlays_trampoline_lowered:
0x8: {  	[smem:$0x3FA4] =	sst s0  }
0x9: {  	[smem:$0x3FA5] =	sst s1  }
0xa: {  	[smem:$0x3FA6] =	sst s2  }
0xb: {  	[smem:$0x3FA7] =	sst s3  }
0xc: {  	[smem:$0x3FA8] =	sst s4  }
0xd: {  	[smem:$0x3FA9] =	sst s5  }
0xe: {  	[smem:$0x3FAA] =	sst s6  }
0xf: {  	[smem:$0x3FAB] =	sst s7  }
0x10: {  	[smem:$0x3FAC] =	sst s8  }
0x11: {  	[smem:$0x3FAD] =	sst s9;
	s0 =	simm.s32 @!p0 $0x0  }
0x12: {  	s1 =	sld [smem:$0x3F93];
	s0 =	simm.s32 @p0 $0x1  }
0x13: {  	[smem:$0x3FAE] =	sst s0;
	s0 =	simm.s32 @!p1 $0x0  }
0x14: {  	s2 =	sld [smem:$0x3F92];
	s0 =	simm.s32 @p1 $0x1  }
0x15: {  	[smem:$0x3FAF] =	sst s0;
	s0 =	simm.s32 @!p2 $0x0  }
0x16: {  	s3 =	sld [smem:$0x3FDB];
	s0 =	simm.s32 @p2 $0x1  }
0x17: {  	s4 =	simm.s32 $0x1BF5;
	[smem:$0x3FB1] =	sst s0  }
0x18: {  	s0 =	sld [smem:$0x3F94];
	_ =	swait.ge [sflag:s4], $0x0  }
0x19: {  	s7 =	sld [smem:$0x3F95]  }
0x1a: {  	s8 =	sadd.s32 $0xFFFFE003, lr  }
0x1b: {  	s9 =	sadd.s32 $0xFFFFFEF7, lr;
	s5 =	simm.s32 $0xFFFFFFFF;
	p2 =	slt.u32 s8, $0xFFFFF086  }
0x1c: {  	p1 =	slt.u32 s9, $0xF7A;
	s5 =	simm.s32 @!p2 $0x0  }
0x1d: {  	s5 =	simm.s32 @p1 $0x1;
	p0 =	seq.s32 s7, s2  }
0x1e: {  	s7 =	smul.u32 @!p0 $0xF7A, s2;
	p2 =	seq.s32 @!p0 s5, $0x0  }
0x1f: {  	s9 =	smul.u32 $0xF7A, s1;
	s8 =	simm.s32 @!p0 $0x1BF5;
	p2 =	por !p2, p0  }
0x20: {  	[sflag:s8] =	ssyncset.s32 @!p0 $0xFFFFF086;
	s6 =	sadd.s32 @!p0 s3, s7;
	s7 =	simm.s32 @!p0 $0x108  }
0x21: {  	s3 =	sadd.s32 s3, s9;
	s6 =	sadd.s32 @!p0 $0x88, s6;
	s7 =	simm.s32 @p2 $0x1082  }
0x22: {  	[simem:s7], [sflag:s8] =	dma.local @!p0 [hbm:s6], $0xF7A  }
0x23: {  	s9 =	sor.u32 $0xD0000000, s2;
	s6 =	simm.s32 $0x108;
	_ =	swait.ge @!p0 [sflag:s8], $0x0  }
0x24: {  	s3 =	sadd.s32 $0x88, s3;
	s6 =	simm.s32 @!p1 $0x1082;
	[sflag:s4] =	ssyncset.s32 $0xFFFFF086  }
0x25: {  	[simem:s6], [sflag:s4] =	dma.local [hbm:s3], $0xF7A  }
0x26: {  	[smem:$0x3F95] =	sst s1;
	(tag) =	ssettag s2;
	_ =	strace s9  }
0x27: {  	s1 =	sld [smem:$0x3FA5]  }
0x28: {  	s2 =	sld [smem:$0x3FA6]  }
0x29: {  	s4 =	sld [smem:$0x3FA8]  }
0x2a: {  	p0 =	seq.s32 s5, $0x0;
	s5 =	sld [smem:$0x3FA9]  }
0x2b: {  	s6 =	sld [smem:$0x3FAA]  }
0x2c: {  	s7 =	sld [smem:$0x3FAB]  }
0x2d: {  	s3 =	simm.s32 $0x108;
	s8 =	sld [smem:$0x3FAC]  }
0x2e: {  	s3 =	simm.s32 @!p0 $0x1082;
	s9 =	sld [smem:$0x3FAD]  }
0x2f: {  	lr =	sadd.s32 s0, s3;
	s0 =	sld [smem:$0x3FA4]  }
0x30: {  	s3 =	sld [smem:$0x3FA7]  }
0x31: {  	[smem:$0x3FB0] =	sst s10  }
0x32: {  	s10 =	sld [smem:$0x3FAE];
	_ =	sdelay $0x3  }
0x33: {  	p0 =	seq.s32 s10, $0x1;
	s10 =	sld [smem:$0x3FB0];
	_ =	sdelay $0x3  }
0x34: {  	[smem:$0x3FB0] =	sst s10  }
0x35: {  	s10 =	sld [smem:$0x3FAF];
	_ =	sdelay $0x3  }
0x36: {  	p1 =	seq.s32 s10, $0x1;
	s10 =	sld [smem:$0x3FB0];
	_ =	sdelay $0x3  }
0x37: {  	[smem:$0x3FB0] =	sst s10  }
0x38: {  	s10 =	sld [smem:$0x3FB1]  }
0x39: {  	_ = 	snop;
	(pc) =	sbr.ind lr, $3  }
0x3a: {  	_ = 	snop  }
0x3b: {  	_ = 	snop  }
0x3c: {  	p2 =	seq.s32 s10, $0x1;
	s10 =	sld [smem:$0x3FB0]  }
0x3d: {  	_ =	shalt  }
0x3e: {  	_ =	shalt  }
0x3f: {  	_ =	shalt  }
0x40: {  	_ =	shalt  }
0x41: {  	_ =	shalt  }
0x42: {  	_ =	shalt  }
0x43: {  	_ =	shalt  }
0x44: {  	_ =	shalt  }
0x45: {  	_ =	shalt  }
0x46: {  	_ =	shalt  }
0x47: {  	_ =	shalt  }
0x48: {  	_ =	shalt  }
0x49: {  	_ =	shalt  }
0x4a: {  	_ =	shalt  }
0x4b: {  	_ =	shalt  }
0x4c: {  	_ =	shalt  }
0x4d: {  	_ =	shalt  }
0x4e: {  	_ =	shalt  }
0x4f: {  	_ =	shalt  }
0x50: {  	_ =	shalt  }
0x51: {  	_ =	shalt  }
0x52: {  	_ =	shalt  }
0x53: {  	_ =	shalt  }
0x54: {  	_ =	shalt  }
0x55: {  	_ =	shalt  }
0x56: {  	_ =	shalt  }
0x57: {  	_ =	shalt  }
0x58: {  	_ =	shalt  }
0x59: {  	_ =	shalt  }
0x5a: {  	_ =	shalt  }
0x5b: {  	_ =	shalt  }
0x5c: {  	_ =	shalt  }
0x5d: {  	_ =	shalt  }
0x5e: {  	_ =	shalt  }
0x5f: {  	_ =	shalt  }
0x60: {  	_ =	shalt  }
0x61: {  	_ =	shalt  }
0x62: {  	_ =	shalt  }
0x63: {  	_ =	shalt  }
0x64: {  	_ =	shalt  }
0x65: {  	_ =	shalt  }
0x66: {  	_ =	shalt  }
0x67: {  	_ =	shalt  }
0x68: {  	_ =	shalt  }
0x69: {  	_ =	shalt  }
0x6a: {  	_ =	shalt  }
0x6b: {  	_ =	shalt  }
0x6c: {  	_ =	shalt  }
0x6d: {  	_ =	shalt  }
0x6e: {  	_ =	shalt  }
0x6f: {  	_ =	shalt  }
0x70: {  	_ =	shalt  }
0x71: {  	_ =	shalt  }
0x72: {  	_ =	shalt  }
0x73: {  	_ =	shalt  }
0x74: {  	_ =	shalt  }
0x75: {  	_ =	shalt  }
0x76: {  	_ =	shalt  }
0x77: {  	_ =	shalt  }
0x78: {  	_ =	shalt  }
0x79: {  	_ =	shalt  }
0x7a: {  	_ =	shalt  }
0x7b: {  	_ =	shalt  }
0x7c: {  	_ =	shalt  }
0x7d: {  	_ =	shalt  }
0x7e: {  	_ =	shalt  }
0x7f: {  	_ =	shalt  }
0x80: {  	_ =	shalt  }
0x81: {  	_ =	shalt  }
0x82: {  	_ =	shalt  }
0x83: {  	_ =	shalt  }
0x84: {  	_ =	shalt  }
0x85: {  	_ =	shalt  }
0x86: {  	_ =	shalt  }
0x87: {  	_ =	shalt  }
.Lfunc_end0:
.L_simem_size_0:
called_computation_lowered:
.L_overlay_start_0:
0x88: {  	s2 =	sld [smem:$0x3FD9]  }
0x89: {  	s3 =	sld [smem:$0x3FFE];
	_ =	sdelay $0x1  }
0x8a: {  	s1 =	srdreg.scid  }
0x8b: {  	s0 =	sand.u32 $0x1, s1  }
0x8c: {  	s16 =	sshll.u32 s0, $0xA;
	s2 =	sadd.s32 s3, s2  }
0x8d: {  	s2 =	sadd.s32 s2, s16  }
0x8e: {  	[smem:$0x3FBC] =	sst s2  }
0x8f: {  	_ = 	snop  }
0x90: {  	(tm) =	ssettm $0x1  }
0x91: {  	s17 =	sld [smem:$0x3FFB];
	_ =	sdelay $0x3  }
0x92: {  	_ =	strace s17  }
0x93: {  	s2 =	sld [smem:$0x3FFC];
	_ =	sdelay $0x3  }
0x94: {  	_ =	strace s2  }
0x95: {  	s2 =	sld [smem:$0x3FFD];
	_ =	sdelay $0x3  }
0x96: {  	_ =	strace s2  }
0x97: {  	_ =	strace $0x8FFFFFFF  }
0x98: {  	s18 =	sld [smem:$0x3FDB];
	_ =	sdelay $0x1  }
0x99: {  	s19 =	simm.s32 $_scs_section_size  }
0x9a: {  	s4 =	simm.s32 $_size__tile_overlayer_lowered;
	s5 =	simm.s32 $_tile_overlayer_lowered  }
0x9b: {  	s22 =	simm.s32 $0x1BFF;
	s21 =	sshll.u32 s5, $0x1;
	s2 =	sadd.s32 s19, s18  }
0x9c: {  	s6 =	simm.s32 $0x0;
	s20 =	sshll.u32 s4, $0x1;
	s4 =	sadd.s32 s21, s2  }
0x9d: {  	[timem:s6], [sflag:s22] =	dma.local [hbm:s4], s20  }
0x9e: {  	_ =	swait.ge [sflag:s22], s20  }
0x9f: {  	s3 =	ssub.s32 $0x0, s20;
	[sflag:s22] =	ssyncset.done $0x0  }
0xa0: {  	[sflag:s22] =	ssyncadd.s32 s3;
	_ =	sdelay $0x1  }
0xa1: {  	s23 =	simm.s32 $0x1B8B  }
0xa2: {  	_ =	swait.ge [sflag:s23], $0x1  }
0xa3: {  	[sflag:s23] =	ssyncset.done $0x0  }
0xa4: {  	s25 =	simm.s32 $0x1B8E;
	s24 =	sld [smem:$0x3FFE];
	[sflag:s23] =	ssyncadd.s32 $0xFFFFFFFF  }
0xa5: {  	s26 =	simm.s32 $execute0_lowered;
	[smem:$0x3FD2] =	sst s25  }
0xa6: {  	s4 =	sshll.u32 s26, $0x1;
	_ =	strace $0x80000046;
	[dreg:$0x1] =	wrdreg $0xFFFFFFFF  }
0xa7: {  	s28 =	simm.s32 $_size_execute0_lowered;
	s2 =	sadd.s32 s2, s4;
	[dreg:$0x0] =	wrdreg $0x0  }
0xa8: {  	s4 =	sshll.u32 s28, $0x1;
	[dreg:$0x2] =	wrdreg s2  }
0xa9: {  	[dreg:$0x3] =	wrdreg s4  }
0xaa: {  	[dreg:$0x4] =	wrdreg $0xC0  }
0xab: {  	_ =	task [dreg:s6], $0x5FFFF  }
0xac: {  	[dreg:$0x1] =	wrdreg $0xFFFFFFFF  }
0xad: {  	[dreg:$0x0] =	wrdreg $0x60  }
0xae: {  	[dreg:$0x2] =	wrdreg s24  }
0xaf: {  	[dreg:$0x3] =	wrdreg $0x9  }
0xb0: {  	_ =	task.clear_ibuf [dreg:s6], $0x4FFFF;
	_ =	strace $0x90000046  }
0xb1: {  	s29 =	simm.s32 $0x9;
	_ =	strace $0x80000048  }
0xb2: {  	_ =	swait.ge [sflag:s29], $0x1  }
0xb3: {  	[sflag:s29] =	ssyncadd.s32 $0xFFFFFFFF  }
0xb4: {  	_ =	strace $0x90000048  }
0xb5: {  	_ =	sfence  }
0xb6: {  	s30 =	sld [smem:$0x0];
	_ =	sdelay $0x2  }
0xb7: {  	s31 =	sshll.u32 s1, $0xD;
	s1 =	sshrl.u32 s1, $0x2  }
0xb8: {  	s3 =	sand.u32 $0x4000, s31;
	s1 =	sadd.s32 s1, s30  }
0xb9: {  	s0 =	sor.u32 s3, s0;
	s1 =	sshll.u32 s1, $0x11  }
0xba: {  	s0 =	sor.u32 s1, s0  }
0xbb: {  	s0 =	sadd.s32 $0x8F2B, s0  }
0xbc: {  	[sflag:s0] =	ssyncadd.remote.s32 $0x1  }
0xbd: {  	_ =	sfence.sel $0xFFFF  }
0xbe: {  	[dreg:$0x0] =	wrdreg $0xFFFFFFFF;
	(pc) =	sbr.abs _section_cstart, $3  }
0xbf: {  	[dreg:$0x1] =	wrdreg $0xFFFFFFFF  }
0xc0: {  	_ =	task.clear_ibuf [dreg:s6], $0x2FFFF;
	_ =	strace $0x9FFFFFFF  }
0xc1: {  	(tm) =	ssettm $0x7FFFFFFF  }
tec
execute0_lowered:
.L_overlay_start_1:
0x0: {  	(tag) =	ssettag $0x1  }
0x1: {  	s0 =	srdreg.scid  }
0x2: {  	s3 =	sand.u32 $0x1, s0  }
0x3: {  	s0 =	stileid.u32;
	s1 =	sshll.u32 s3, $0x4  }
0x4: {  	s4 =	rddreg [dreg:$0x0];
	s1 =	sor.u32 s0, s1  }
0x5: {  	s6 =	simm.s32 $0x80;
	s7 =	simm.s32 $0x400;
	s1 =	sshrl.u32 s1, $0x3  }
0x6: {  	s8 =	simm.s32 $0x1;
	s30 =	sshll.u32 s0, $0x7;
	s2 =	smul.u32 $0x14000, s1  }
0x7: {  	s9 =	simm.s32 $0x2800;
	s3 =	ssub.s32 $0x2, s3;
	s5 =	sand.u32 $0x380, s30  }
0x8: {  	s1 =	rddreg [dreg:$0x1];
	s5 =	sor.u32 s5, s2;
	s2 =	simm.s32 $0x0  }
0x9: {  	s31 =	sshrl.u32 s3, $0x1;
	s5 =	sshrl.u32 s5, $0x3;
	[smem:$0x7FF] =	sst s2  }
0xa: {  	s4 =	sadd.s32 s5, s4;
	_ =	strace $0x80000047;
	s5 =	ssub.s32 s3, s31  }
0xb: {  	v0 =	vimm.f32 $0.0e+00;
	v1 =	vimm.f32 $1.000000000e+00;
	s3 =	sadd.s32 $0x2A00, s4;
	s4 =	sadd.s32 $0xCA00, s4;
	s5 =	smax.u32 s5, $0x1  }
.LBB2_1:
0xc: {  	s10 =	simm.s32 $0x40;
	s11 =	simm.s32 $0x0  }
.LBB2_2:
0xd: {  	p0 =	sne.s32 s10, $0xA000;
	[tilespmem:s11+$0x2800] =	vst v0;
	s11 =	smov.u32 s10;
	s10 =	sadd.s32 $0x40, s10  }
.Ltmp0:
0xe: {  	(pc) =	sbr.rel @p0 .LBB2_2-.Ltmp0, $2  }
0xf: {  	_ =	sdelay $0x2  }
0x10: {  	s11 =	sshra.s32 s11, $0x2  }
0x11: {  	[tilespmem:s11+$0x2800] =	vst v0;
	s10 =	simm.s32 $0x0  }
0x12: {  	[tilespmem:s10], [sflag:$0x1] =	stream.strided.gather [hbm4b:s3+s6], $0x2800, s7, s6, $0x38;
	[tilespmem:$0x5080] =	vst v63  }
0x13: {  	_ =	swait.ge [sflag:s8], $0x2800  }
0x14: {  	[sflag:s8] =	ssyncset.done $0x0  }
0x15: {  	s11 =	simm.s32 $0x0;
	s10 =	simm.s32 $0x40;
	[sflag:s8] =	ssyncadd.s32 $0xFFFFD800  }
.LBB2_4:
0x16: {  	p0 =	sne.s32 s10, $0x9FC0;
	v2 =	vld [tilespmem:s11+$0x0];
	_ =	sdelay $0x3  }
.Ltmp1:
0x17: {  	(pc) =	sbr.rel @p0 .LBB2_4-.Ltmp1, $2  }
0x18: {  	_ =	sdelay $0x2  }
0x19: {  	s11 =	sshra.s32 s10, $0x2;
	s10 =	sadd.s32 $0x40, s10;
	[tilespmem:v2+s9+$0x0] =	vst.idx.add.f32.msk $0xffff, v1  }
0x1a: {  	v2 =	vld [tilespmem:s11+$0x0];
	_ =	sdelay $0x5  }
0x1b: {  	s2 =	sadd.s32 $0x1, s2  }
0x1c: {  	p0 =	sne.s32 s2, s5  }
.Ltmp2:
0x1d: {  	[tilespmem:v2+s9+$0x0] =	vst.idx.add.f32.msk $0xffff, v1;
	(pc) =	sbr.rel @p0 .LBB2_1-.Ltmp2, $4  }
0x1e: {  	[hbm4b:s4+s6] =	stream.strided.scatter [tilespmem:s9], [sflag:$0x1], $0x2800, s7, s6, $0x38;
	[tilespmem:$0x5080] =	vst v63  }
0x1f: {  	_ =	swait.ge [sflag:s8], $0x2800  }
0x20: {  	[sflag:s8] =	ssyncset.done $0x0  }
0x21: {  	[sflag:s8] =	ssyncadd.s32 $0xFFFFD800  }
0x22: {  	_ =	sfence.sel $0x180000  }
0x23: {  	[bflag:$0x0] =	sbarrier.arrive $0xFFFF  }
0x24: {  	p0 =	sne.s32 s0, $0x0;
	_ =	strace $0x90000047  }
0x25: {  	s0 =	sadd.s32 @!p0 $0x100000, s1;
	[bflag:$0x2] =	sbarrier.arrive $0xFFFF  }
0x26: {  	[sflag:s0] =	ssyncadd.tile.s32 @!p0 $0x1;
	_ =	shalt  }
.Lfunc_end2:
_tile_overlayer_lowered:
.L_overlay_start_2:
0x27: {  	(tag) =	ssettag $0x2  }
0x28: {  	s0 =	rddreg [dreg:$0x0];
	s2 =	stileid.u32  }
0x29: {  	s1 =	rddreg [dreg:$0x1];
	p0 =	sne.s32 s2, $0x0  }
0x2a: {  	s3 =	rddreg [dreg:$0x2];
	[bflag:$0x3] =	sbarrier.arrive $0xFFFF;
	s2 =	simm.s32 @!p0 $0x1C01  }
0x2b: {  	[timem:s3], [sflag:s2] =	dma.local @!p0 [hbm:s0], s1  }
0x2c: {  	s0 =	simm.s32 @!p0 $0x1  }
0x2d: {  	_ =	swait.ge @!p0 [sflag:s0], s1  }
0x2e: {  	s1 =	ssub.s32 @!p0 $0x0, s1;
	[sflag:s0] =	ssyncset.done @!p0 $0x0  }
0x2f: {  	[sflag:s0] =	ssyncadd.s32 @!p0 s1  }
0x30: {  	[bflag:$0x3] =	sbarrier.arrive $0xFFFF  }
0x31: {  	_ =	shalt  }

// kernel: kernel.9.cloned.1.call-start
scs
__scs_entry_jumppad:
0x0: {  	(pc) =	sbr.rel $0x88, $3  }
0x1: {  	(tag) =	ssettag $0x0;
	lr =	simm.s32 $0x1  }
0x2: {  	[smem:$0x3F95] =	sst lr;
	_ =	strace $0xD0000000  }
0x3: {  	_ = 	snop  }
0x4: {  	_ = 	snop  }
0x5: {  	_ = 	snop  }
0x6: {  	_ = 	snop  }
0x7: {  	_ = 	snop  }
__scs_overlays_trampoline_lowered:
0x8: {  	[smem:$0x3FA4] =	sst s0  }
0x9: {  	[smem:$0x3FA5] =	sst s1  }
0xa: {  	[smem:$0x3FA6] =	sst s2  }
0xb: {  	[smem:$0x3FA7] =	sst s3  }
0xc: {  	[smem:$0x3FA8] =	sst s4  }
0xd: {  	[smem:$0x3FA9] =	sst s5  }
0xe: {  	[smem:$0x3FAA] =	sst s6  }
0xf: {  	[smem:$0x3FAB] =	sst s7  }
0x10: {  	[smem:$0x3FAC] =	sst s8  }
0x11: {  	[smem:$0x3FAD] =	sst s9;
	s0 =	simm.s32 @!p0 $0x0  }
0x12: {  	s1 =	sld [smem:$0x3F93];
	s0 =	simm.s32 @p0 $0x1  }
0x13: {  	[smem:$0x3FAE] =	sst s0;
	s0 =	simm.s32 @!p1 $0x0  }
0x14: {  	s2 =	sld [smem:$0x3F92];
	s0 =	simm.s32 @p1 $0x1  }
0x15: {  	[smem:$0x3FAF] =	sst s0;
	s0 =	simm.s32 @!p2 $0x0  }
0x16: {  	s3 =	sld [smem:$0x3FDB];
	s0 =	simm.s32 @p2 $0x1  }
0x17: {  	s4 =	simm.s32 $0x1BF5;
	[smem:$0x3FB1] =	sst s0  }
0x18: {  	s0 =	sld [smem:$0x3F94];
	_ =	swait.ge [sflag:s4], $0x0  }
0x19: {  	s7 =	sld [smem:$0x3F95]  }
0x1a: {  	s8 =	sadd.s32 $0xFFFFE003, lr  }
0x1b: {  	s9 =	sadd.s32 $0xFFFFFEF7, lr;
	s5 =	simm.s32 $0xFFFFFFFF;
	p2 =	slt.u32 s8, $0xFFFFF086  }
0x1c: {  	p1 =	slt.u32 s9, $0xF7A;
	s5 =	simm.s32 @!p2 $0x0  }
0x1d: {  	s5 =	simm.s32 @p1 $0x1;
	p0 =	seq.s32 s7, s2  }
0x1e: {  	s7 =	smul.u32 @!p0 $0xF7A, s2;
	p2 =	seq.s32 @!p0 s5, $0x0  }
0x1f: {  	s9 =	smul.u32 $0xF7A, s1;
	s8 =	simm.s32 @!p0 $0x1BF5;
	p2 =	por !p2, p0  }
0x20: {  	[sflag:s8] =	ssyncset.s32 @!p0 $0xFFFFF086;
	s6 =	sadd.s32 @!p0 s3, s7;
	s7 =	simm.s32 @!p0 $0x108  }
0x21: {  	s3 =	sadd.s32 s3, s9;
	s6 =	sadd.s32 @!p0 $0x88, s6;
	s7 =	simm.s32 @p2 $0x1082  }
0x22: {  	[simem:s7], [sflag:s8] =	dma.local @!p0 [hbm:s6], $0xF7A  }
0x23: {  	s9 =	sor.u32 $0xD0000000, s2;
	s6 =	simm.s32 $0x108;
	_ =	swait.ge @!p0 [sflag:s8], $0x0  }
0x24: {  	s3 =	sadd.s32 $0x88, s3;
	s6 =	simm.s32 @!p1 $0x1082;
	[sflag:s4] =	ssyncset.s32 $0xFFFFF086  }
0x25: {  	[simem:s6], [sflag:s4] =	dma.local [hbm:s3], $0xF7A  }
0x26: {  	[smem:$0x3F95] =	sst s1;
	(tag) =	ssettag s2;
	_ =	strace s9  }
0x27: {  	s1 =	sld [smem:$0x3FA5]  }
0x28: {  	s2 =	sld [smem:$0x3FA6]  }
0x29: {  	s4 =	sld [smem:$0x3FA8]  }
0x2a: {  	p0 =	seq.s32 s5, $0x0;
	s5 =	sld [smem:$0x3FA9]  }
0x2b: {  	s6 =	sld [smem:$0x3FAA]  }
0x2c: {  	s7 =	sld [smem:$0x3FAB]  }
0x2d: {  	s3 =	simm.s32 $0x108;
	s8 =	sld [smem:$0x3FAC]  }
0x2e: {  	s3 =	simm.s32 @!p0 $0x1082;
	s9 =	sld [smem:$0x3FAD]  }
0x2f: {  	lr =	sadd.s32 s0, s3;
	s0 =	sld [smem:$0x3FA4]  }
0x30: {  	s3 =	sld [smem:$0x3FA7]  }
0x31: {  	[smem:$0x3FB0] =	sst s10  }
0x32: {  	s10 =	sld [smem:$0x3FAE];
	_ =	sdelay $0x3  }
0x33: {  	p0 =	seq.s32 s10, $0x1;
	s10 =	sld [smem:$0x3FB0];
	_ =	sdelay $0x3  }
0x34: {  	[smem:$0x3FB0] =	sst s10  }
0x35: {  	s10 =	sld [smem:$0x3FAF];
	_ =	sdelay $0x3  }
0x36: {  	p1 =	seq.s32 s10, $0x1;
	s10 =	sld [smem:$0x3FB0];
	_ =	sdelay $0x3  }
0x37: {  	[smem:$0x3FB0] =	sst s10  }
0x38: {  	s10 =	sld [smem:$0x3FB1]  }
0x39: {  	_ = 	snop;
	(pc) =	sbr.ind lr, $3  }
0x3a: {  	_ = 	snop  }
0x3b: {  	_ = 	snop  }
0x3c: {  	p2 =	seq.s32 s10, $0x1;
	s10 =	sld [smem:$0x3FB0]  }
0x3d: {  	_ =	shalt  }
0x3e: {  	_ =	shalt  }
0x3f: {  	_ =	shalt  }
0x40: {  	_ =	shalt  }
0x41: {  	_ =	shalt  }
0x42: {  	_ =	shalt  }
0x43: {  	_ =	shalt  }
0x44: {  	_ =	shalt  }
0x45: {  	_ =	shalt  }
0x46: {  	_ =	shalt  }
0x47: {  	_ =	shalt  }
0x48: {  	_ =	shalt  }
0x49: {  	_ =	shalt  }
0x4a: {  	_ =	shalt  }
0x4b: {  	_ =	shalt  }
0x4c: {  	_ =	shalt  }
0x4d: {  	_ =	shalt  }
0x4e: {  	_ =	shalt  }
0x4f: {  	_ =	shalt  }
0x50: {  	_ =	shalt  }
0x51: {  	_ =	shalt  }
0x52: {  	_ =	shalt  }
0x53: {  	_ =	shalt  }
0x54: {  	_ =	shalt  }
0x55: {  	_ =	shalt  }
0x56: {  	_ =	shalt  }
0x57: {  	_ =	shalt  }
0x58: {  	_ =	shalt  }
0x59: {  	_ =	shalt  }
0x5a: {  	_ =	shalt  }
0x5b: {  	_ =	shalt  }
0x5c: {  	_ =	shalt  }
0x5d: {  	_ =	shalt  }
0x5e: {  	_ =	shalt  }
0x5f: {  	_ =	shalt  }
0x60: {  	_ =	shalt  }
0x61: {  	_ =	shalt  }
0x62: {  	_ =	shalt  }
0x63: {  	_ =	shalt  }
0x64: {  	_ =	shalt  }
0x65: {  	_ =	shalt  }
0x66: {  	_ =	shalt  }
0x67: {  	_ =	shalt  }
0x68: {  	_ =	shalt  }
0x69: {  	_ =	shalt  }
0x6a: {  	_ =	shalt  }
0x6b: {  	_ =	shalt  }
0x6c: {  	_ =	shalt  }
0x6d: {  	_ =	shalt  }
0x6e: {  	_ =	shalt  }
0x6f: {  	_ =	shalt  }
0x70: {  	_ =	shalt  }
0x71: {  	_ =	shalt  }
0x72: {  	_ =	shalt  }
0x73: {  	_ =	shalt  }
0x74: {  	_ =	shalt  }
0x75: {  	_ =	shalt  }
0x76: {  	_ =	shalt  }
0x77: {  	_ =	shalt  }
0x78: {  	_ =	shalt  }
0x79: {  	_ =	shalt  }
0x7a: {  	_ =	shalt  }
0x7b: {  	_ =	shalt  }
0x7c: {  	_ =	shalt  }
0x7d: {  	_ =	shalt  }
0x7e: {  	_ =	shalt  }
0x7f: {  	_ =	shalt  }
0x80: {  	_ =	shalt  }
0x81: {  	_ =	shalt  }
0x82: {  	_ =	shalt  }
0x83: {  	_ =	shalt  }
0x84: {  	_ =	shalt  }
0x85: {  	_ =	shalt  }
0x86: {  	_ =	shalt  }
0x87: {  	_ =	shalt  }
.Lfunc_end0:
.L_simem_size_0:
called_computation.1_lowered:
.L_overlay_start_0:
0x88: {  	s2 =	sld [smem:$0x3FD9]  }
0x89: {  	s3 =	sld [smem:$0x3FFE];
	_ =	sdelay $0x1  }
0x8a: {  	s1 =	srdreg.scid  }
0x8b: {  	s0 =	sand.u32 $0x1, s1  }
0x8c: {  	s16 =	sshll.u32 s0, $0xA;
	s2 =	sadd.s32 s3, s2  }
0x8d: {  	s2 =	sadd.s32 s2, s16  }
0x8e: {  	[smem:$0x3FBC] =	sst s2  }
0x8f: {  	_ = 	snop  }
0x90: {  	(tm) =	ssettm $0x1  }
0x91: {  	s17 =	sld [smem:$0x3FFB];
	_ =	sdelay $0x3  }
0x92: {  	_ =	strace s17  }
0x93: {  	s2 =	sld [smem:$0x3FFC];
	_ =	sdelay $0x3  }
0x94: {  	_ =	strace s2  }
0x95: {  	s2 =	sld [smem:$0x3FFD];
	_ =	sdelay $0x3  }
0x96: {  	_ =	strace s2  }
0x97: {  	_ =	strace $0x8FFFFFFF  }
0x98: {  	s18 =	sld [smem:$0x3FDB];
	_ =	sdelay $0x1  }
0x99: {  	s19 =	simm.s32 $_scs_section_size  }
0x9a: {  	s4 =	simm.s32 $_size__tile_overlayer_lowered;
	s5 =	simm.s32 $_tile_overlayer_lowered  }
0x9b: {  	s22 =	simm.s32 $0x1BFF;
	s21 =	sshll.u32 s5, $0x1;
	s2 =	sadd.s32 s19, s18  }
0x9c: {  	s6 =	simm.s32 $0x0;
	s20 =	sshll.u32 s4, $0x1;
	s4 =	sadd.s32 s21, s2  }
0x9d: {  	[timem:s6], [sflag:s22] =	dma.local [hbm:s4], s20  }
0x9e: {  	_ =	swait.ge [sflag:s22], s20  }
0x9f: {  	s3 =	ssub.s32 $0x0, s20;
	[sflag:s22] =	ssyncset.done $0x0  }
0xa0: {  	[sflag:s22] =	ssyncadd.s32 s3;
	_ =	sdelay $0x1  }
0xa1: {  	s23 =	simm.s32 $0x1B8B  }
0xa2: {  	_ =	swait.ge [sflag:s23], $0x1  }
0xa3: {  	[sflag:s23] =	ssyncset.done $0x0  }
0xa4: {  	s25 =	simm.s32 $0x1B8E;
	s24 =	sld [smem:$0x3FFE];
	[sflag:s23] =	ssyncadd.s32 $0xFFFFFFFF  }
0xa5: {  	s26 =	simm.s32 $execute0_lowered;
	[smem:$0x3FD2] =	sst s25  }
0xa6: {  	s4 =	sshll.u32 s26, $0x1;
	_ =	strace $0x80000049;
	[dreg:$0x1] =	wrdreg $0xFFFFFFFF  }
0xa7: {  	s28 =	simm.s32 $_size_execute0_lowered;
	s2 =	sadd.s32 s2, s4;
	[dreg:$0x0] =	wrdreg $0x0  }
0xa8: {  	s4 =	sshll.u32 s28, $0x1;
	[dreg:$0x2] =	wrdreg s2  }
0xa9: {  	[dreg:$0x3] =	wrdreg s4  }
0xaa: {  	[dreg:$0x4] =	wrdreg $0xC0  }
0xab: {  	_ =	task [dreg:s6], $0x5FFFF  }
0xac: {  	[dreg:$0x1] =	wrdreg $0xFFFFFFFF  }
0xad: {  	[dreg:$0x0] =	wrdreg $0x60  }
0xae: {  	[dreg:$0x2] =	wrdreg s24  }
0xaf: {  	[dreg:$0x3] =	wrdreg $0x82000  }
0xb0: {  	[dreg:$0x4] =	wrdreg $0x9  }
0xb1: {  	_ =	task.clear_ibuf [dreg:s6], $0x5FFFF;
	_ =	strace $0x90000049  }
0xb2: {  	s29 =	simm.s32 $0x9;
	_ =	strace $0x8000004B  }
0xb3: {  	_ =	swait.ge [sflag:s29], $0x1  }
0xb4: {  	[sflag:s29] =	ssyncadd.s32 $0xFFFFFFFF  }
0xb5: {  	_ =	strace $0x9000004B  }
0xb6: {  	_ =	sfence  }
0xb7: {  	s30 =	sld [smem:$0x0];
	_ =	sdelay $0x2  }
0xb8: {  	s31 =	sshll.u32 s1, $0xD;
	s1 =	sshrl.u32 s1, $0x2  }
0xb9: {  	s3 =	sand.u32 $0x4000, s31;
	s1 =	sadd.s32 s1, s30  }
0xba: {  	s0 =	sor.u32 s3, s0;
	s1 =	sshll.u32 s1, $0x11  }
0xbb: {  	s0 =	sor.u32 s1, s0  }
0xbc: {  	s0 =	sadd.s32 $0x8F2B, s0  }
0xbd: {  	[sflag:s0] =	ssyncadd.remote.s32 $0x1  }
0xbe: {  	_ =	sfence.sel $0xFFFF  }
0xbf: {  	[dreg:$0x0] =	wrdreg $0xFFFFFFFF;
	(pc) =	sbr.abs _section_cstart, $3  }
0xc0: {  	[dreg:$0x1] =	wrdreg $0xFFFFFFFF  }
0xc1: {  	_ =	task.clear_ibuf [dreg:s6], $0x2FFFF;
	_ =	strace $0x9FFFFFFF  }
0xc2: {  	(tm) =	ssettm $0x7FFFFFFF  }
0xc3: {  	_ =	shalt  }
tec
execute0_lowered:
.L_overlay_start_1:
0x0: {  	(tag) =	ssettag $0x1  }
0x1: {  	s7 =	rddreg [dreg:$0x0]  }
0x2: {  	s2 =	rddreg [dreg:$0x1]  }
0x3: {  	s0 =	rddreg [dreg:$0x2];
	s4 =	srdreg.scid  }
0x4: {  	s1 =	stileid.u32;
	s3 =	simm.s32 $0x0;
	s14 =	simm.s32 $0x80  }
0x5: {  	s15 =	simm.s32 $0x400;
	s16 =	simm.s32 $0x100;
	s17 =	simm.s32 $0x200  }
0x6: {  	s18 =	simm.s32 $0x1;
	s19 =	simm.s32 $0x0;
	s8 =	sand.u32 $0x1, s4  }
0x7: {  	s9 =	smul.u32 $0x14000, s1;
	[smem:$0x7FF] =	sst s3;
	s4 =	sadd.s32 $0x2AA00, s7  }
0x8: {  	s5 =	sadd.s32 $0x20A00, s7;
	s6 =	sadd.s32 $0x16A00, s7;
	s13 =	smul.u32 $0x50000, s1  }
0x9: {  	s31 =	sshll.u32 s1, $0x6;
	s10 =	smul.u32 $0x140000, s8;
	_ =	strace $0x8000004A  }
0xa: {  	s11 =	ssub.s32 $0x2, s8;
	s26 =	sshll.u32 s8, $0x4;
	s8 =	sor.u32 $0x1C02, s31  }
0xb: {  	s12 =	sshrl.u32 s11, $0x1;
	s28 =	sor.u32 s1, s26;
	s29 =	sshrl.u32 s13, $0x2  }
0xc: {  	s30 =	sshrl.u32 s9, $0x3;
	s10 =	sadd.s32 s9, s10;
	s11 =	ssub.s32 s11, s12  }
0xd: {  	s13 =	sadd.s32 s29, s2;
	s9 =	smul.u32 $0x2800, s28;
	s10 =	sshrl.u32 s10, $0x3  }
0xe: {  	s11 =	smax.u32 s11, $0x1;
	s12 =	sshrl.u32 s13, $0x3;
	s10 =	sadd.s32 s10, s7  }
0xf: {  	s13 =	simm.s32 $0x2;
	s7 =	sadd.s32 s4, s30;
	s10 =	sadd.s32 $0x52A00, s10  }
.LBB2_1:
0x10: {  	[spmem:s12], [sflag:s8] =	dma.local [hbm:s7], $0x2800  }
0x11: {  	s20 =	sand.u32 $0x3800, s3  }
0x12: {  	s21 =	sand.u32 $0x380, s3;
	_ =	swait.ge [sflag:s13], $0x2800;
	s20 =	sadd.s32 s9, s20  }
0x13: {  	[sflag:s13] =	ssyncset.done $0x0;
	s20 =	sor.u32 s21, s20  }
0x14: {  	[sflag:s13] =	ssyncadd.s32 $0xFFFFD800;
	s20 =	sshrl.u32 s20, $0x3  }
0x15: {  	[bflag:$0x0] =	sbarrier.arrive $0xFFFF;
	s29 =	sadd.s32 s5, s20  }
0x16: {  	[tilespmem:s3], [sflag:$0x2] =	stream.strided.gather [hbm4b:s29+s14], $0x100, s15, s14, $0x38;
	[tilespmem:$0x1C280] =	vst v63  }
0x17: {  	_ =	swait.ge [sflag:s13], $0x100  }
0x18: {  	[sflag:s13] =	ssyncset.done $0x0  }
0x19: {  	s20 =	sadd.s32 s6, s20;
	[sflag:s13] =	ssyncadd.s32 $0xFFFFFF00  }
0x1a: {  	[tilespmem:s16], [sflag:$0x2] =	stream.strided.gather [hbm4b:s20+s14], $0x100, s15, s14, $0x38;
	[tilespmem:$0x1C280] =	vst v63  }
0x1b: {  	_ =	swait.ge [sflag:s13], $0x100  }
0x1c: {  	[sflag:s13] =	ssyncset.done $0x0  }
0x1d: {  	[sflag:s13] =	ssyncadd.s32 $0xFFFFFF00  }
0x1e: {  	[tilespmem:s17], [sflag:$0x1] =	stream.indirect.gather [hbm4b:s4+s16], $0x80, s3, s16, $0xb8;
	[tilespmem:$0x1C280] =	vst v63  }
0x1f: {  	_ =	swait.ge [sflag:s18], $0x8000  }
0x20: {  	s30 =	simm.s32 $0x100;
	[sflag:s18] =	ssyncset.done $0x0  }
0x21: {  	s31 =	sand.u32 $0x3800, s30;
	s20 =	simm.s32 $0x80;
	[sflag:s18] =	ssyncadd.s32 $0xFFFF8000  }
0x22: {  	[spmem:s2] =	stream.indirect.scatter.add.f32 [tilespmem:s17], [sflag:$0x2], $0x80, s16, s16, $0xb8;
	[tilespmem:$0x1C280] =	vst v63  }
0x23: {  	s22 =	sadd.s32 s9, s31;
	s23 =	sand.u32 $0x380, s20;
	_ =	swait.ge [sflag:s13], $0x8000  }
0x24: {  	s21 =	simm.s32 $0x200;
	s22 =	sor.u32 s23, s22;
	[sflag:s13] =	ssyncset.done $0x0  }
.LBB2_2:
0x25: {  	s22 =	sshrl.u32 s22, $0x3  }
0x26: {  	[sflag:s13] =	ssyncadd.s32 $0xFFFF8000;
	s23 =	smov.u32 s21;
	s24 =	sadd.s32 $0x100, s21  }
0x27: {  	p0 =	sne.s32 s21, $0x2700;
	s21 =	sadd.s32 s5, s22  }
0x28: {  	[tilespmem:s3], [sflag:$0x2] =	stream.strided.gather [hbm4b:s21+s14], $0x100, s15, s14, $0x38;
	[tilespmem:$0x1C280] =	vst v63  }
0x29: {  	_ =	swait.ge [sflag:s13], $0x100  }
0x2a: {  	[sflag:s13] =	ssyncset.done $0x0  }
0x2b: {  	s21 =	sadd.s32 s6, s22;
	[sflag:s13] =	ssyncadd.s32 $0xFFFFFF00  }
0x2c: {  	[tilespmem:s16], [sflag:$0x2] =	stream.strided.gather [hbm4b:s21+s14], $0x100, s15, s14, $0x38;
	[tilespmem:$0x1C280] =	vst v63  }
0x2d: {  	_ =	swait.ge [sflag:s13], $0x100  }
0x2e: {  	[sflag:s13] =	ssyncset.done $0x0  }
0x2f: {  	[sflag:s13] =	ssyncadd.s32 $0xFFFFFF00  }
0x30: {  	[tilespmem:s17], [sflag:$0x1] =	stream.indirect.gather [hbm4b:s4+s16], $0x80, s3, s16, $0xb8;
	[tilespmem:$0x1C280] =	vst v63  }
0x31: {  	_ =	swait.ge [sflag:s18], $0x8000  }
.Ltmp0:
0x32: {  	[sflag:s18] =	ssyncset.done $0x0;
	(pc) =	sbr.rel @p0 .LBB2_2-.Ltmp0, $4  }
0x33: {  	s20 =	sadd.s32 $0x80, s20;
	s21 =	sand.u32 $0x3800, s23;
	[sflag:s18] =	ssyncadd.s32 $0xFFFF8000  }
0x34: {  	[spmem:s2] =	stream.indirect.scatter.add.f32 [tilespmem:s17], [sflag:$0x2], $0x80, s16, s16, $0xb8;
	[tilespmem:$0x1C280] =	vst v63  }
0x35: {  	s22 =	sand.u32 $0x380, s20;
	s21 =	sadd.s32 s9, s21;
	_ =	swait.ge [sflag:s13], $0x8000  }
0x36: {  	s22 =	sor.u32 s22, s21;
	s21 =	smov.u32 s24;
	[sflag:s13] =	ssyncset.done $0x0  }
0x37: {  	s20 =	sshrl.u32 s22, $0x3  }
0x38: {  	[sflag:s13] =	ssyncadd.s32 $0xFFFF8000;
	s21 =	sadd.s32 s5, s20  }
0x39: {  	[tilespmem:s3], [sflag:$0x2] =	stream.strided.gather [hbm4b:s21+s14], $0x100, s15, s14, $0x38;
	[tilespmem:$0x1C280] =	vst v63  }
0x3a: {  	_ =	swait.ge [sflag:s13], $0x100  }
0x3b: {  	[sflag:s13] =	ssyncset.done $0x0  }
0x3c: {  	s20 =	sadd.s32 s6, s20;
	[sflag:s13] =	ssyncadd.s32 $0xFFFFFF00  }
0x3d: {  	[tilespmem:s16], [sflag:$0x2] =	stream.strided.gather [hbm4b:s20+s14], $0x100, s15, s14, $0x38;
	[tilespmem:$0x1C280] =	vst v63  }
0x3e: {  	_ =	swait.ge [sflag:s13], $0x100  }
0x3f: {  	[sflag:s13] =	ssyncset.done $0x0  }
0x40: {  	[sflag:s13] =	ssyncadd.s32 $0xFFFFFF00  }
0x41: {  	[tilespmem:s17], [sflag:$0x1] =	stream.indirect.gather [hbm4b:s4+s16], $0x80, s3, s16, $0xb8;
	[tilespmem:$0x1C280] =	vst v63  }
0x42: {  	_ =	swait.ge [sflag:s18], $0x8000  }
0x43: {  	[sflag:s18] =	ssyncset.done $0x0  }
0x44: {  	[sflag:s18] =	ssyncadd.s32 $0xFFFF8000  }
0x45: {  	[spmem:s2] =	stream.indirect.scatter.add.f32 [tilespmem:s17], [sflag:$0x2], $0x80, s16, s16, $0xb8;
	[tilespmem:$0x1C280] =	vst v63  }
0x46: {  	_ =	swait.ge [sflag:s13], $0x8000  }
0x47: {  	s19 =	sadd.s32 $0x1, s19;
	[sflag:s13] =	ssyncset.done $0x0  }
0x48: {  	p0 =	sne.s32 s19, s11;
	[sflag:s13] =	ssyncadd.s32 $0xFFFF8000  }
.Ltmp1:
0x49: {  	[bflag:$0x0] =	sbarrier.arrive $0xFFFF;
	(pc) =	sbr.rel @p0 .LBB2_1-.Ltmp1, $4  }
0x4a: {  	[hbm:s10], [sflag:s8] =	dma.local [spmem:s12], $0x2800  }
0x4b: {  	_ =	swait.ge [sflag:s13], $0x2800  }
0x4c: {  	[sflag:s13] =	ssyncset.done $0x0  }
0x4d: {  	[sflag:s13] =	ssyncadd.s32 $0xFFFFD800  }
0x4e: {  	_ =	sfence.sel $0x180000  }
0x4f: {  	[bflag:$0x0] =	sbarrier.arrive $0xFFFF  }
0x50: {  	p0 =	sne.s32 s1, $0x0;
	_ =	strace $0x9000004A  }
0x51: {  	s0 =	sadd.s32 @!p0 $0x100000, s0;
	[bflag:$0x2] =	sbarrier.arrive $0xFFFF  }
0x52: {  	[sflag:s0] =	ssyncadd.tile.s32 @!p0 $0x1;
	_ =	shalt  }
.Lfunc_end2:
_tile_overlayer_lowered:
.L_overlay_start_2:
0x53: {  	(tag) =	ssettag $0x2  }
0x54: {  	s0 =	rddreg [dreg:$0x0];
	s2 =	stileid.u32  }
0x55: {  	s1 =	rddreg [dreg:$0x1];
	p0 =	sne.s32 s2, $0x0  }
0x56: {  	s3 =	rddreg [dreg:$0x2];
	[bflag:$0x3] =	sbarrier.arrive $0xFFFF;
	s2 =	simm.s32 @!p0 $0x1C02  }
0x57: {  	[timem:s3], [sflag:s2] =	dma.local @!p0 [hbm:s0], s1  }
0x58: {  	s0 =	simm.s32 @!p0 $0x2  }
0x59: {  	_ =	swait.ge @!p0 [sflag:s0], s1  }
0x5a: {  	s1 =	ssub.s32 @!p0 $0x0, s1;
	[sflag:s0] =	ssyncset.done @!p0 $0x0  }
0x5b: {  	[sflag:s0] =	ssyncadd.s32 @!p0 s1  }
0x5c: {  	[bflag:$0x3] =	sbarrier.arrive $0xFFFF  }
0x5d: {  	_ =	shalt  }

</sc_bundles>
